<compile_context>
chip_gen: v7x
topology: tpu7x:2x2x1
jax: 0.10.2.dev20260603
libtpu: 0.0.44.dev20260713+nightly
codegen_flags: <defaults>
</compile_context>

<pallas_src>
import functools

import jax
import jax.numpy as jnp
from jax import lax
from jax.experimental import pallas as pl
from jax.experimental.pallas import tpu as pltpu
from jax.experimental.pallas import tpu_sc as plsc

_CHUNKS = 2
_BLK = 1024


@functools.partial(jax.jit, static_argnums=(2, 3, 4, 5, 6))
def _sc_gather(x2, nbr1, co, CN, D, K, G):
    NC, NS = 2, 16
    NPW = CN // (NC * NS)
    GK = G * K
    n_groups = NPW // G
    NI, NG = 4, 4
    e_chunk = co * CN * K

    mesh = plsc.VectorSubcoreMesh(core_axis_name="c", subcore_axis_name="s")

    @functools.partial(
        pl.kernel,
        mesh=mesh,
        out_type=jax.ShapeDtypeStruct((CN * K, D), jnp.float32),
        scratch_types=[
            pltpu.VMEM((NI, GK), jnp.int32),
            pltpu.VMEM((NG, GK, D), jnp.float32),
        ] + [pltpu.SemaphoreType.DMA] * (NI + 2 * NG),
    )
    def k(x_hbm, nbr_hbm, out_hbm, idx_v, gat_v, *sems):
        isem = sems[:NI]
        gsem = sems[NI:NI + NG]
        ssem = sems[NI + NG:]
        wid = lax.axis_index("s") * NC + lax.axis_index("c")
        e0w = wid * NPW * K

        def issue_idx(g, si):
            eg = e_chunk + e0w + g * GK
            pltpu.async_copy(nbr_hbm.at[pl.ds(eg, GK)], idx_v.at[si], isem[si])

        def wait_idx(si):
            pltpu.make_async_copy(
                nbr_hbm.at[pl.ds(0, GK)], idx_v.at[si], isem[si]).wait()

        def issue_gather(g, sg, si):
            pltpu.async_copy(x_hbm.at[idx_v.at[si]], gat_v.at[sg], gsem[sg])

        def wait_gather(sg, si):
            pltpu.make_async_copy(
                x_hbm.at[idx_v.at[si]], gat_v.at[sg], gsem[sg]).wait()

        def issue_out(g, sg):
            eg = e0w + g * GK
            pltpu.async_copy(gat_v.at[sg], out_hbm.at[pl.ds(eg, GK)], ssem[sg])

        def wait_out(sg):
            pltpu.make_async_copy(
                gat_v.at[sg], out_hbm.at[pl.ds(0, GK)], ssem[sg]).wait()

        issue_idx(0, 0)
        issue_idx(1, 1)
        wait_idx(0)
        issue_gather(0, 0, 0)

        def quad_body(gg, car):
            for u in range(NG):
                g2 = gg * NG + u

                @pl.when(g2 + 2 < n_groups)
                def _():
                    issue_idx(g2 + 2, (u + 2) % NI)

                @pl.when(g2 + 1 < n_groups)
                def _():
                    wait_idx((u + 1) % NI)

                    @pl.when(g2 + 1 >= NG)
                    def _():
                        wait_out((u + 1) % NG)

                    issue_gather(g2 + 1, (u + 1) % NG, (u + 1) % NI)

                wait_gather(u, u % NI)
                issue_out(g2, u)
            return car

        lax.fori_loop(0, n_groups // NG, quad_body, 0)
        for t in range(min(NG, n_groups)):
            wait_out((n_groups - 1 - t) % NG)

    return k(x2, nbr1)


def _tc_body(x_ref, nbr_ref, alias_ref, out_ref):
    del alias_ref
    xb = x_ref[...]
    K, D = nbr_ref.shape[1], x_ref.shape[1]
    br = lax.broadcast_in_dim(xb, (xb.shape[0], K, D), (0, 2))
    out_ref[:, :, 0:D] = br
    out_ref[:, :, D:2 * D] = nbr_ref[...] - br


def _tc_body0(x_ref, nbr_ref, out_ref):
    _tc_body(x_ref, nbr_ref, None, out_ref)


@functools.partial(jax.jit, static_argnums=(3, 4, 5, 6, 7))
def _tc_stage(x2, nbr_c, prev_out, co, BN, D, K, CN):
    nblk = CN // _BLK
    base = co * nblk
    grid = (nblk,)
    x_spec = pl.BlockSpec((_BLK, D), lambda i, _b=base: (i + _b, 0))
    nbr_spec = pl.BlockSpec((_BLK, K, D), lambda i: (i, 0, 0))
    out_spec = pl.BlockSpec((_BLK, K, 2 * D), lambda i, _b=base: (i + _b, 0, 0))
    out_shape = jax.ShapeDtypeStruct((BN, K, 2 * D), jnp.float32)
    nbr3 = nbr_c.reshape(CN, K, D)
    if prev_out is None:
        return pl.pallas_call(
            _tc_body0, grid=grid,
            in_specs=[x_spec, nbr_spec],
            out_specs=out_spec, out_shape=out_shape,
        )(x2, nbr3)
    return pl.pallas_call(
        _tc_body, grid=grid,
        in_specs=[x_spec, nbr_spec, pl.BlockSpec(memory_space=pl.ANY)],
        out_specs=out_spec, out_shape=out_shape,
        input_output_aliases={2: 0},
    )(x2, nbr3, prev_out)


def kernel(X_inputs, nn_idx):
    B, N, D = X_inputs.shape
    K = nn_idx.shape[-1]
    BN = B * N
    CN = BN // _CHUNKS
    x2 = X_inputs.reshape(BN, D)
    offs = (jnp.arange(B, dtype=jnp.int32) * N).reshape(B, 1, 1)
    nbr1 = (nn_idx.astype(jnp.int32) + offs).reshape(BN * K)
    gathered = [_sc_gather(x2, nbr1, c, CN, D, K, 8) for c in range(_CHUNKS)]
    out = None
    for c in range(_CHUNKS):
        out = _tc_stage(x2, gathered[c], out, c, BN, D, K, CN)
    return out.reshape(B, N, K, 2 * D)

# --- scband reference (transcript-rebuilt; emitter-appended) ---
"""Pipeline reference for scband-edge-feature-layer-80934363726400 (READ-ONLY COPY).

The authoritative reference and input builder live on the scoring server;
editing this copy changes nothing except your own understanding.
"""

import jax, jax.numpy as jnp
import numpy as np


def setup_inputs(seed: int = 0) -> dict:
    key = jax.random.key(seed)
    k1, k2 = jax.random.split(key)
    B, N, D, K = 4, 4096, 128, 16
    X_inputs = jax.random.normal(k1, (B, N, D), dtype=jnp.float32)
    nn_idx = jax.random.randint(k2, (B, N, K), 0, N, dtype=jnp.int64 if jax.config.read('jax_enable_x64') else jnp.int32)
    return {"X_inputs": X_inputs, "nn_idx": nn_idx}


def reference(X_inputs, nn_idx):
    # Faithful translation of EdgeFeatureLayer.call
    # X_inputs: [B, N, D]; for B > 1 with no singleton dims, tf.squeeze is a no-op.
    B, N, D = X_inputs.shape
    K = nn_idx.shape[-1]
    mesh_central = X_inputs
    # idx_ = range(B) * N reshaped [B, 1, 1]
    idx_ = (jnp.arange(B, dtype=nn_idx.dtype) * N).reshape(B, 1, 1)
    mesh_flat = X_inputs.reshape(-1, D)
    # gather neighbors: [B, N, K, D]
    mesh_neighbors = jnp.take(mesh_flat, nn_idx + idx_, axis=0)
    # central tiled to [B, N, K, D]
    mesh_central = jnp.broadcast_to(mesh_central[:, :, None, :], (B, N, K, D))
    edge_feature = jnp.concatenate([mesh_central, mesh_neighbors - mesh_central], axis=-1)
    return edge_feature

if __name__ == "__main__":
    import jax
    _d = setup_inputs()
    print(jax.jit(kernel)(*tuple(_d.values())))

</pallas_src>

<mosaic_0001>
#map = affine_map<(d0, d1) -> (0, 0)>
#map1 = affine_map<(d0, d1) -> (0)>
module attributes {stable_mosaic.version = 14 : i64} {
  func.func @k(%arg0: i32, %arg1: i32, %arg2: memref<16384x128xf32, #tpu.memory_space<hbm>>, %arg3: memref<262144xi32, #tpu.memory_space<hbm>>, %arg4: memref<131072x128xf32, #tpu.memory_space<hbm>>, %arg5: memref<4x128xi32, #tpu.memory_space<vmem>>, %arg6: memref<4x128x128xf32, #tpu.memory_space<vmem>>, %arg7: memref<!tpu.dma_semaphore, #tpu.memory_space<semaphore_mem>>, %arg8: memref<!tpu.dma_semaphore, #tpu.memory_space<semaphore_mem>>, %arg9: memref<!tpu.dma_semaphore, #tpu.memory_space<semaphore_mem>>, %arg10: memref<!tpu.dma_semaphore, #tpu.memory_space<semaphore_mem>>, %arg11: memref<!tpu.dma_semaphore, #tpu.memory_space<semaphore_mem>>, %arg12: memref<!tpu.dma_semaphore, #tpu.memory_space<semaphore_mem>>, %arg13: memref<!tpu.dma_semaphore, #tpu.memory_space<semaphore_mem>>, %arg14: memref<!tpu.dma_semaphore, #tpu.memory_space<semaphore_mem>>, %arg15: memref<!tpu.dma_semaphore, #tpu.memory_space<semaphore_mem>>, %arg16: memref<!tpu.dma_semaphore, #tpu.memory_space<semaphore_mem>>, %arg17: memref<!tpu.dma_semaphore, #tpu.memory_space<semaphore_mem>>, %arg18: memref<!tpu.dma_semaphore, #tpu.memory_space<semaphore_mem>>) attributes {dimension_semantics = [#tpu.dimension_semantics<core_parallel>, #tpu.dimension_semantics<subcore_parallel>], iteration_bounds = array<i64: 2, 16>, scalar_prefetch = 0 : i64, scratch_operands = 14 : i64, tpu.core_type = #tpu.core_type<sc_vector_subcore>, window_params = [{transform_indices = #map}, {transform_indices = #map1}, {transform_indices = #map}]} {
    %mul3A = arith.constant 2 : i32
    %mul3A_0 = arith.muli %arg1, %mul3A : i32
    %add3A = arith.addi %mul3A_0, %arg0 : i32
    %mul3A_1 = arith.constant 256 : i32
    %mul3A_2 = arith.muli %add3A, %mul3A_1 : i32
    %mul3A_3 = arith.constant 16 : i32
    %mul3A_4 = arith.muli %mul3A_2, %mul3A_3 : i32
    %add3A_5 = arith.constant 0 : i32
    %add3A_6 = arith.addi %add3A_5, %mul3A_4 : i32
    %add3A_7 = arith.constant 0 : i32
    %add3A_8 = arith.addi %add3A_6, %add3A_7 : i32
    %dma_start3A = arith.constant 0 : i32
    %dma_start3A_9 = arith.constant 0 : i32
    %dma_start3A_10 = tpu.memref_slice %arg5[%dma_start3A, %dma_start3A_9] : memref<4x128xi32, #tpu.memory_space<vmem>> -> memref<1x128xi32, #tpu.memory_space<vmem>>
    %dma_start3A_11 = tpu.memref_squeeze %dma_start3A_10 : memref<1x128xi32, #tpu.memory_space<vmem>> -> memref<128xi32, #tpu.memory_space<vmem>>
    %dma_start3A_12 = tpu.memref_slice %arg3[%add3A_8] : memref<262144xi32, #tpu.memory_space<hbm>> -> memref<128xi32, #tpu.memory_space<hbm>>
    %dma_start3A_13 = arith.constant 0 : i32
    %dma_start3A_14 = tpu.memref_slice %arg5[%dma_start3A, %dma_start3A_13] : memref<4x128xi32, #tpu.memory_space<vmem>> -> memref<1x128xi32, #tpu.memory_space<vmem>>
    %dma_start3A_15 = tpu.memref_squeeze %dma_start3A_14 : memref<1x128xi32, #tpu.memory_space<vmem>> -> memref<128xi32, #tpu.memory_space<vmem>>
    %dma_start3A_16 = tpu.memref_slice %arg3[%add3A_8] : memref<262144xi32, #tpu.memory_space<hbm>> -> memref<128xi32, #tpu.memory_space<hbm>>
    tpu.enqueue_dma source(%dma_start3A_16 : memref<128xi32, #tpu.memory_space<hbm>>) target(%dma_start3A_15 : memref<128xi32, #tpu.memory_space<vmem>>) target_semaphore(%arg7 : memref<!tpu.dma_semaphore, #tpu.memory_space<semaphore_mem>>)
    %add3A_17 = arith.constant 0 : i32
    %add3A_18 = arith.addi %add3A_17, %mul3A_4 : i32
    %add3A_19 = arith.constant 128 : i32
    %add3A_20 = arith.addi %add3A_18, %add3A_19 : i32
    %dma_start3A_21 = arith.constant 1 : i32
    %dma_start3A_22 = arith.constant 0 : i32
    %dma_start3A_23 = tpu.memref_slice %arg5[%dma_start3A_21, %dma_start3A_22] : memref<4x128xi32, #tpu.memory_space<vmem>> -> memref<1x128xi32, #tpu.memory_space<vmem>>
    %dma_start3A_24 = tpu.memref_squeeze %dma_start3A_23 : memref<1x128xi32, #tpu.memory_space<vmem>> -> memref<128xi32, #tpu.memory_space<vmem>>
    %dma_start3A_25 = tpu.memref_slice %arg3[%add3A_20] : memref<262144xi32, #tpu.memory_space<hbm>> -> memref<128xi32, #tpu.memory_space<hbm>>
    %dma_start3A_26 = arith.constant 0 : i32
    %dma_start3A_27 = tpu.memref_slice %arg5[%dma_start3A_21, %dma_start3A_26] : memref<4x128xi32, #tpu.memory_space<vmem>> -> memref<1x128xi32, #tpu.memory_space<vmem>>
    %dma_start3A_28 = tpu.memref_squeeze %dma_start3A_27 : memref<1x128xi32, #tpu.memory_space<vmem>> -> memref<128xi32, #tpu.memory_space<vmem>>
    %dma_start3A_29 = tpu.memref_slice %arg3[%add3A_20] : memref<262144xi32, #tpu.memory_space<hbm>> -> memref<128xi32, #tpu.memory_space<hbm>>
    tpu.enqueue_dma source(%dma_start3A_29 : memref<128xi32, #tpu.memory_space<hbm>>) target(%dma_start3A_28 : memref<128xi32, #tpu.memory_space<vmem>>) target_semaphore(%arg8 : memref<!tpu.dma_semaphore, #tpu.memory_space<semaphore_mem>>)
    %dma_wait3A = arith.constant 0 : i32
    %dma_wait3A_30 = arith.constant 0 : i32
    %dma_wait3A_31 = tpu.memref_slice %arg5[%dma_wait3A, %dma_wait3A_30] : memref<4x128xi32, #tpu.memory_space<vmem>> -> memref<1x128xi32, #tpu.memory_space<vmem>>
    %dma_wait3A_32 = tpu.memref_squeeze %dma_wait3A_31 : memref<1x128xi32, #tpu.memory_space<vmem>> -> memref<128xi32, #tpu.memory_space<vmem>>
    %dma_wait3A_33 = arith.constant 0 : i32
    %dma_wait3A_34 = tpu.memref_slice %arg3[%dma_wait3A_33] : memref<262144xi32, #tpu.memory_space<hbm>> -> memref<128xi32, #tpu.memory_space<hbm>>
    %dma_wait3A_35 = arith.constant 0 : i32
    %dma_wait3A_36 = tpu.memref_slice %arg5[%dma_wait3A, %dma_wait3A_35] : memref<4x128xi32, #tpu.memory_space<vmem>> -> memref<1x128xi32, #tpu.memory_space<vmem>>
    %dma_wait3A_37 = tpu.memref_squeeze %dma_wait3A_36 : memref<1x128xi32, #tpu.memory_space<vmem>> -> memref<128xi32, #tpu.memory_space<vmem>>
    %dma_wait3A_38 = arith.constant 0 : i32
    %dma_wait3A_39 = tpu.memref_slice %arg3[%dma_wait3A_38] : memref<262144xi32, #tpu.memory_space<hbm>> -> memref<128xi32, #tpu.memory_space<hbm>>
    tpu.wait_dma2 semaphore(%arg7 : memref<!tpu.dma_semaphore, #tpu.memory_space<semaphore_mem>>) src(%dma_wait3A_39 : memref<128xi32, #tpu.memory_space<hbm>>) dst(%dma_wait3A_37 : memref<128xi32, #tpu.memory_space<vmem>>)
    %dma_start3A_40 = arith.constant 0 : i32
    %dma_start3A_41 = arith.constant 0 : i32
    %dma_start3A_42 = arith.constant 0 : i32
    %dma_start3A_43 = arith.constant 0 : i32
    %dma_start3A_44 = tpu.memref_slice %arg6[%dma_start3A_41, %dma_start3A_42, %dma_start3A_43] : memref<4x128x128xf32, #tpu.memory_space<vmem>> -> memref<1x128x128xf32, #tpu.memory_space<vmem>>
    %dma_start3A_45 = tpu.memref_squeeze %dma_start3A_44 : memref<1x128x128xf32, #tpu.memory_space<vmem>> -> memref<128x128xf32, #tpu.memory_space<vmem>>
    %dma_start3A_46 = arith.constant 0 : i32
    %dma_start3A_47 = tpu.memref_slice %arg5[%dma_start3A_40, %dma_start3A_46] : memref<4x128xi32, #tpu.memory_space<vmem>> -> memref<1x128xi32, #tpu.memory_space<vmem>>
    %dma_start3A_48 = tpu.memref_squeeze %dma_start3A_47 : memref<1x128xi32, #tpu.memory_space<vmem>> -> memref<128xi32, #tpu.memory_space<vmem>>
    %dma_start3A_49 = arith.constant 0 : i32
    %dma_start3A_50 = arith.constant 0 : i32
    %dma_start3A_51 = tpu.memref_slice %arg2[%dma_start3A_49, %dma_start3A_50] : memref<16384x128xf32, #tpu.memory_space<hbm>> -> memref<16384x128xf32, #tpu.memory_space<hbm>>
    tpu.enqueue_indirect_dma source(%dma_start3A_51 : memref<16384x128xf32, #tpu.memory_space<hbm>>) target(%dma_start3A_45 : memref<128x128xf32, #tpu.memory_space<vmem>>) offsets(%dma_start3A_48 : memref<128xi32, #tpu.memory_space<vmem>>) semaphore(%arg11 : memref<!tpu.dma_semaphore, #tpu.memory_space<semaphore_mem>>)
    %scan3A = arith.constant 0 : i32
    %scan3A_52 = arith.constant 0 : i32
    %scan3A_53 = arith.constant 8 : i32
    %scan3A_54 = arith.addi %scan3A_52, %scan3A_53 : i32
    %scan3A_55 = arith.constant 1 : i32
    scf.for %scan3A_117 = %scan3A_52 to %scan3A_54 step %scan3A_55  : i32 {
      %mul3A_118 = arith.constant 4 : i32
      %mul3A_119 = arith.muli %scan3A_117, %mul3A_118 : i32
      %add3A_120 = arith.constant 0 : i32
      %add3A_121 = arith.addi %mul3A_119, %add3A_120 : i32
      %add3A_122 = arith.constant 2 : i32
      %add3A_123 = arith.addi %add3A_121, %add3A_122 : i32
      %lt3A = arith.constant 32 : i32
      %lt3A_124 = arith.cmpi slt, %add3A_123, %lt3A : i32
      %convert_element_type3A = arith.extui %lt3A_124 : i1 to i32
      %cond3A = arith.constant 0 : i32
      %cond3A_125 = arith.cmpi ne, %convert_element_type3A, %cond3A : i32
      scf.if %cond3A_125 {
        %add3A_299 = arith.constant 2 : i32
        %add3A_300 = arith.addi %add3A_121, %add3A_299 : i32
        %add3A_301 = arith.constant 0 : i32
        %add3A_302 = arith.addi %add3A_301, %mul3A_4 : i32
        %mul3A_303 = arith.constant 128 : i32
        %mul3A_304 = arith.muli %add3A_300, %mul3A_303 : i32
        %add3A_305 = arith.addi %add3A_302, %mul3A_304 : i32
        %dma_start3A_306 = arith.constant 2 : i32
        %dma_start3A_307 = arith.constant 0 : i32
        %dma_start3A_308 = tpu.memref_slice %arg5[%dma_start3A_306, %dma_start3A_307] : memref<4x128xi32, #tpu.memory_space<vmem>> -> memref<1x128xi32, #tpu.memory_space<vmem>>
        %dma_start3A_309 = tpu.memref_squeeze %dma_start3A_308 : memref<1x128xi32, #tpu.memory_space<vmem>> -> memref<128xi32, #tpu.memory_space<vmem>>
        %dma_start3A_310 = tpu.memref_slice %arg3[%add3A_305] : memref<262144xi32, #tpu.memory_space<hbm>> -> memref<128xi32, #tpu.memory_space<hbm>>
        %dma_start3A_311 = arith.constant 0 : i32
        %dma_start3A_312 = tpu.memref_slice %arg5[%dma_start3A_306, %dma_start3A_311] : memref<4x128xi32, #tpu.memory_space<vmem>> -> memref<1x128xi32, #tpu.memory_space<vmem>>
        %dma_start3A_313 = tpu.memref_squeeze %dma_start3A_312 : memref<1x128xi32, #tpu.memory_space<vmem>> -> memref<128xi32, #tpu.memory_space<vmem>>
        %dma_start3A_314 = tpu.memref_slice %arg3[%add3A_305] : memref<262144xi32, #tpu.memory_space<hbm>> -> memref<128xi32, #tpu.memory_space<hbm>>
        tpu.enqueue_dma source(%dma_start3A_314 : memref<128xi32, #tpu.memory_space<hbm>>) target(%dma_start3A_313 : memref<128xi32, #tpu.memory_space<vmem>>) target_semaphore(%arg9 : memref<!tpu.dma_semaphore, #tpu.memory_space<semaphore_mem>>)
      } else {
      }
      %add3A_126 = arith.constant 1 : i32
      %add3A_127 = arith.addi %add3A_121, %add3A_126 : i32
      %lt3A_128 = arith.constant 32 : i32
      %lt3A_129 = arith.cmpi slt, %add3A_127, %lt3A_128 : i32
      %convert_element_type3A_130 = arith.extui %lt3A_129 : i1 to i32
      %cond3A_131 = arith.constant 0 : i32
      %cond3A_132 = arith.cmpi ne, %convert_element_type3A_130, %cond3A_131 : i32
      scf.if %cond3A_132 {
        %dma_wait3A_299 = arith.constant 1 : i32
        %dma_wait3A_300 = arith.constant 0 : i32
        %dma_wait3A_301 = tpu.memref_slice %arg5[%dma_wait3A_299, %dma_wait3A_300] : memref<4x128xi32, #tpu.memory_space<vmem>> -> memref<1x128xi32, #tpu.memory_space<vmem>>
        %dma_wait3A_302 = tpu.memref_squeeze %dma_wait3A_301 : memref<1x128xi32, #tpu.memory_space<vmem>> -> memref<128xi32, #tpu.memory_space<vmem>>
        %dma_wait3A_303 = arith.constant 0 : i32
        %dma_wait3A_304 = tpu.memref_slice %arg3[%dma_wait3A_303] : memref<262144xi32, #tpu.memory_space<hbm>> -> memref<128xi32, #tpu.memory_space<hbm>>
        %dma_wait3A_305 = arith.constant 0 : i32
        %dma_wait3A_306 = tpu.memref_slice %arg5[%dma_wait3A_299, %dma_wait3A_305] : memref<4x128xi32, #tpu.memory_space<vmem>> -> memref<1x128xi32, #tpu.memory_space<vmem>>
        %dma_wait3A_307 = tpu.memref_squeeze %dma_wait3A_306 : memref<1x128xi32, #tpu.memory_space<vmem>> -> memref<128xi32, #tpu.memory_space<vmem>>
        %dma_wait3A_308 = arith.constant 0 : i32
        %dma_wait3A_309 = tpu.memref_slice %arg3[%dma_wait3A_308] : memref<262144xi32, #tpu.memory_space<hbm>> -> memref<128xi32, #tpu.memory_space<hbm>>
        tpu.wait_dma2 semaphore(%arg8 : memref<!tpu.dma_semaphore, #tpu.memory_space<semaphore_mem>>) src(%dma_wait3A_309 : memref<128xi32, #tpu.memory_space<hbm>>) dst(%dma_wait3A_307 : memref<128xi32, #tpu.memory_space<vmem>>)
        %add3A_310 = arith.constant 1 : i32
        %add3A_311 = arith.addi %add3A_121, %add3A_310 : i32
        %ge3A = arith.constant 4 : i32
        %ge3A_312 = arith.cmpi sge, %add3A_311, %ge3A : i32
        %convert_element_type3A_313 = arith.extui %ge3A_312 : i1 to i32
        %cond3A_314 = arith.constant 0 : i32
        %cond3A_315 = arith.cmpi ne, %convert_element_type3A_313, %cond3A_314 : i32
        scf.if %cond3A_315 {
          %dma_wait3A_330 = arith.constant 1 : i32
          %dma_wait3A_331 = arith.constant 0 : i32
          %dma_wait3A_332 = arith.constant 0 : i32
          %dma_wait3A_333 = tpu.memref_slice %arg6[%dma_wait3A_330, %dma_wait3A_331, %dma_wait3A_332] : memref<4x128x128xf32, #tpu.memory_space<vmem>> -> memref<1x128x128xf32, #tpu.memory_space<vmem>>
          %dma_wait3A_334 = tpu.memref_squeeze %dma_wait3A_333 : memref<1x128x128xf32, #tpu.memory_space<vmem>> -> memref<128x128xf32, #tpu.memory_space<vmem>>
          %dma_wait3A_335 = arith.constant 0 : i32
          %dma_wait3A_336 = arith.constant 0 : i32
          %dma_wait3A_337 = tpu.memref_slice %arg4[%dma_wait3A_335, %dma_wait3A_336] : memref<131072x128xf32, #tpu.memory_space<hbm>> -> memref<128x128xf32, #tpu.memory_space<hbm>>
          %dma_wait3A_338 = arith.constant 0 : i32
          %dma_wait3A_339 = arith.constant 0 : i32
          %dma_wait3A_340 = tpu.memref_slice %arg4[%dma_wait3A_338, %dma_wait3A_339] : memref<131072x128xf32, #tpu.memory_space<hbm>> -> memref<128x128xf32, #tpu.memory_space<hbm>>
          %dma_wait3A_341 = arith.constant 0 : i32
          %dma_wait3A_342 = arith.constant 0 : i32
          %dma_wait3A_343 = tpu.memref_slice %arg6[%dma_wait3A_330, %dma_wait3A_341, %dma_wait3A_342] : memref<4x128x128xf32, #tpu.memory_space<vmem>> -> memref<1x128x128xf32, #tpu.memory_space<vmem>>
          %dma_wait3A_344 = tpu.memref_squeeze %dma_wait3A_343 : memref<1x128x128xf32, #tpu.memory_space<vmem>> -> memref<128x128xf32, #tpu.memory_space<vmem>>
          tpu.wait_dma2 semaphore(%arg16 : memref<!tpu.dma_semaphore, #tpu.memory_space<semaphore_mem>>) src(%dma_wait3A_344 : memref<128x128xf32, #tpu.memory_space<vmem>>) dst(%dma_wait3A_340 : memref<128x128xf32, #tpu.memory_space<hbm>>)
        } else {
        }
        %add3A_316 = arith.constant 1 : i32
        %add3A_317 = arith.addi %add3A_121, %add3A_316 : i32
        %dma_start3A_318 = arith.constant 1 : i32
        %dma_start3A_319 = arith.constant 1 : i32
        %dma_start3A_320 = arith.constant 0 : i32
        %dma_start3A_321 = arith.constant 0 : i32
        %dma_start3A_322 = tpu.memref_slice %arg6[%dma_start3A_319, %dma_start3A_320, %dma_start3A_321] : memref<4x128x128xf32, #tpu.memory_space<vmem>> -> memref<1x128x128xf32, #tpu.memory_space<vmem>>
        %dma_start3A_323 = tpu.memref_squeeze %dma_start3A_322 : memref<1x128x128xf32, #tpu.memory_space<vmem>> -> memref<128x128xf32, #tpu.memory_space<vmem>>
        %dma_start3A_324 = arith.constant 0 : i32
        %dma_start3A_325 = tpu.memref_slice %arg5[%dma_start3A_318, %dma_start3A_324] : memref<4x128xi32, #tpu.memory_space<vmem>> -> memref<1x128xi32, #tpu.memory_space<vmem>>
        %dma_start3A_326 = tpu.memref_squeeze %dma_start3A_325 : memref<1x128xi32, #tpu.memory_space<vmem>> -> memref<128xi32, #tpu.memory_space<vmem>>
        %dma_start3A_327 = arith.constant 0 : i32
        %dma_start3A_328 = arith.constant 0 : i32
        %dma_start3A_329 = tpu.memref_slice %arg2[%dma_start3A_327, %dma_start3A_328] : memref<16384x128xf32, #tpu.memory_space<hbm>> -> memref<16384x128xf32, #tpu.memory_space<hbm>>
        tpu.enqueue_indirect_dma source(%dma_start3A_329 : memref<16384x128xf32, #tpu.memory_space<hbm>>) target(%dma_start3A_323 : memref<128x128xf32, #tpu.memory_space<vmem>>) offsets(%dma_start3A_326 : memref<128xi32, #tpu.memory_space<vmem>>) semaphore(%arg12 : memref<!tpu.dma_semaphore, #tpu.memory_space<semaphore_mem>>)
      } else {
      }
      %dma_wait3A_133 = arith.constant 0 : i32
      %dma_wait3A_134 = arith.constant 0 : i32
      %dma_wait3A_135 = arith.constant 0 : i32
      %dma_wait3A_136 = arith.constant 0 : i32
      %dma_wait3A_137 = tpu.memref_slice %arg6[%dma_wait3A_134, %dma_wait3A_135, %dma_wait3A_136] : memref<4x128x128xf32, #tpu.memory_space<vmem>> -> memref<1x128x128xf32, #tpu.memory_space<vmem>>
      %dma_wait3A_138 = tpu.memref_squeeze %dma_wait3A_137 : memref<1x128x128xf32, #tpu.memory_space<vmem>> -> memref<128x128xf32, #tpu.memory_space<vmem>>
      %dma_wait3A_139 = arith.constant 0 : i32
      %dma_wait3A_140 = tpu.memref_slice %arg5[%dma_wait3A_133, %dma_wait3A_139] : memref<4x128xi32, #tpu.memory_space<vmem>> -> memref<1x128xi32, #tpu.memory_space<vmem>>
      %dma_wait3A_141 = tpu.memref_squeeze %dma_wait3A_140 : memref<1x128xi32, #tpu.memory_space<vmem>> -> memref<128xi32, #tpu.memory_space<vmem>>
      %dma_wait3A_142 = arith.constant 0 : i32
      %dma_wait3A_143 = arith.constant 0 : i32
      %dma_wait3A_144 = tpu.memref_slice %arg2[%dma_wait3A_142, %dma_wait3A_143] : memref<16384x128xf32, #tpu.memory_space<hbm>> -> memref<16384x128xf32, #tpu.memory_space<hbm>>
      tpu.wait_indirect_dma semaphore(%arg11 : memref<!tpu.dma_semaphore, #tpu.memory_space<semaphore_mem>>) src(%dma_wait3A_144 : memref<16384x128xf32, #tpu.memory_space<hbm>>) dst(%dma_wait3A_138 : memref<128x128xf32, #tpu.memory_space<vmem>>)
      %mul3A_145 = arith.constant 128 : i32
      %mul3A_146 = arith.muli %add3A_121, %mul3A_145 : i32
      %add3A_147 = arith.addi %mul3A_4, %mul3A_146 : i32
      %dma_start3A_148 = arith.constant 0 : i32
      %dma_start3A_149 = arith.constant 0 : i32
      %dma_start3A_150 = arith.constant 0 : i32
      %dma_start3A_151 = tpu.memref_slice %arg6[%dma_start3A_148, %dma_start3A_149, %dma_start3A_150] : memref<4x128x128xf32, #tpu.memory_space<vmem>> -> memref<1x128x128xf32, #tpu.memory_space<vmem>>
      %dma_start3A_152 = tpu.memref_squeeze %dma_start3A_151 : memref<1x128x128xf32, #tpu.memory_space<vmem>> -> memref<128x128xf32, #tpu.memory_space<vmem>>
      %dma_start3A_153 = arith.constant 0 : i32
      %dma_start3A_154 = tpu.memref_slice %arg4[%add3A_147, %dma_start3A_153] : memref<131072x128xf32, #tpu.memory_space<hbm>> -> memref<128x128xf32, #tpu.memory_space<hbm>>
      %dma_start3A_155 = arith.constant 0 : i32
      %dma_start3A_156 = tpu.memref_slice %arg4[%add3A_147, %dma_start3A_155] : memref<131072x128xf32, #tpu.memory_space<hbm>> -> memref<128x128xf32, #tpu.memory_space<hbm>>
      %dma_start3A_157 = arith.constant 0 : i32
      %dma_start3A_158 = arith.constant 0 : i32
      %dma_start3A_159 = tpu.memref_slice %arg6[%dma_start3A_148, %dma_start3A_157, %dma_start3A_158] : memref<4x128x128xf32, #tpu.memory_space<vmem>> -> memref<1x128x128xf32, #tpu.memory_space<vmem>>
      %dma_start3A_160 = tpu.memref_squeeze %dma_start3A_159 : memref<1x128x128xf32, #tpu.memory_space<vmem>> -> memref<128x128xf32, #tpu.memory_space<vmem>>
      tpu.enqueue_dma source(%dma_start3A_160 : memref<128x128xf32, #tpu.memory_space<vmem>>) target(%dma_start3A_156 : memref<128x128xf32, #tpu.memory_space<hbm>>) target_semaphore(%arg15 : memref<!tpu.dma_semaphore, #tpu.memory_space<semaphore_mem>>)
      %mul3A_161 = arith.constant 4 : i32
      %mul3A_162 = arith.muli %scan3A_117, %mul3A_161 : i32
      %add3A_163 = arith.constant 1 : i32
      %add3A_164 = arith.addi %mul3A_162, %add3A_163 : i32
      %add3A_165 = arith.constant 2 : i32
      %add3A_166 = arith.addi %add3A_164, %add3A_165 : i32
      %lt3A_167 = arith.constant 32 : i32
      %lt3A_168 = arith.cmpi slt, %add3A_166, %lt3A_167 : i32
      %convert_element_type3A_169 = arith.extui %lt3A_168 : i1 to i32
      %cond3A_170 = arith.constant 0 : i32
      %cond3A_171 = arith.cmpi ne, %convert_element_type3A_169, %cond3A_170 : i32
      scf.if %cond3A_171 {
        %add3A_299 = arith.constant 2 : i32
        %add3A_300 = arith.addi %add3A_164, %add3A_299 : i32
        %add3A_301 = arith.constant 0 : i32
        %add3A_302 = arith.addi %add3A_301, %mul3A_4 : i32
        %mul3A_303 = arith.constant 128 : i32
        %mul3A_304 = arith.muli %add3A_300, %mul3A_303 : i32
        %add3A_305 = arith.addi %add3A_302, %mul3A_304 : i32
        %dma_start3A_306 = arith.constant 3 : i32
        %dma_start3A_307 = arith.constant 0 : i32
        %dma_start3A_308 = tpu.memref_slice %arg5[%dma_start3A_306, %dma_start3A_307] : memref<4x128xi32, #tpu.memory_space<vmem>> -> memref<1x128xi32, #tpu.memory_space<vmem>>
        %dma_start3A_309 = tpu.memref_squeeze %dma_start3A_308 : memref<1x128xi32, #tpu.memory_space<vmem>> -> memref<128xi32, #tpu.memory_space<vmem>>
        %dma_start3A_310 = tpu.memref_slice %arg3[%add3A_305] : memref<262144xi32, #tpu.memory_space<hbm>> -> memref<128xi32, #tpu.memory_space<hbm>>
        %dma_start3A_311 = arith.constant 0 : i32
        %dma_start3A_312 = tpu.memref_slice %arg5[%dma_start3A_306, %dma_start3A_311] : memref<4x128xi32, #tpu.memory_space<vmem>> -> memref<1x128xi32, #tpu.memory_space<vmem>>
        %dma_start3A_313 = tpu.memref_squeeze %dma_start3A_312 : memref<1x128xi32, #tpu.memory_space<vmem>> -> memref<128xi32, #tpu.memory_space<vmem>>
        %dma_start3A_314 = tpu.memref_slice %arg3[%add3A_305] : memref<262144xi32, #tpu.memory_space<hbm>> -> memref<128xi32, #tpu.memory_space<hbm>>
        tpu.enqueue_dma source(%dma_start3A_314 : memref<128xi32, #tpu.memory_space<hbm>>) target(%dma_start3A_313 : memref<128xi32, #tpu.memory_space<vmem>>) target_semaphore(%arg10 : memref<!tpu.dma_semaphore, #tpu.memory_space<semaphore_mem>>)
      } else {
      }
      %add3A_172 = arith.constant 1 : i32
      %add3A_173 = arith.addi %add3A_164, %add3A_172 : i32
      %lt3A_174 = arith.constant 32 : i32
      %lt3A_175 = arith.cmpi slt, %add3A_173, %lt3A_174 : i32
      %convert_element_type3A_176 = arith.extui %lt3A_175 : i1 to i32
      %cond3A_177 = arith.constant 0 : i32
      %cond3A_178 = arith.cmpi ne, %convert_element_type3A_176, %cond3A_177 : i32
      scf.if %cond3A_178 {
        %dma_wait3A_299 = arith.constant 2 : i32
        %dma_wait3A_300 = arith.constant 0 : i32
        %dma_wait3A_301 = tpu.memref_slice %arg5[%dma_wait3A_299, %dma_wait3A_300] : memref<4x128xi32, #tpu.memory_space<vmem>> -> memref<1x128xi32, #tpu.memory_space<vmem>>
        %dma_wait3A_302 = tpu.memref_squeeze %dma_wait3A_301 : memref<1x128xi32, #tpu.memory_space<vmem>> -> memref<128xi32, #tpu.memory_space<vmem>>
        %dma_wait3A_303 = arith.constant 0 : i32
        %dma_wait3A_304 = tpu.memref_slice %arg3[%dma_wait3A_303] : memref<262144xi32, #tpu.memory_space<hbm>> -> memref<128xi32, #tpu.memory_space<hbm>>
        %dma_wait3A_305 = arith.constant 0 : i32
        %dma_wait3A_306 = tpu.memref_slice %arg5[%dma_wait3A_299, %dma_wait3A_305] : memref<4x128xi32, #tpu.memory_space<vmem>> -> memref<1x128xi32, #tpu.memory_space<vmem>>
        %dma_wait3A_307 = tpu.memref_squeeze %dma_wait3A_306 : memref<1x128xi32, #tpu.memory_space<vmem>> -> memref<128xi32, #tpu.memory_space<vmem>>
        %dma_wait3A_308 = arith.constant 0 : i32
        %dma_wait3A_309 = tpu.memref_slice %arg3[%dma_wait3A_308] : memref<262144xi32, #tpu.memory_space<hbm>> -> memref<128xi32, #tpu.memory_space<hbm>>
        tpu.wait_dma2 semaphore(%arg9 : memref<!tpu.dma_semaphore, #tpu.memory_space<semaphore_mem>>) src(%dma_wait3A_309 : memref<128xi32, #tpu.memory_space<hbm>>) dst(%dma_wait3A_307 : memref<128xi32, #tpu.memory_space<vmem>>)
        %add3A_310 = arith.constant 1 : i32
        %add3A_311 = arith.addi %add3A_164, %add3A_310 : i32
        %ge3A = arith.constant 4 : i32
        %ge3A_312 = arith.cmpi sge, %add3A_311, %ge3A : i32
        %convert_element_type3A_313 = arith.extui %ge3A_312 : i1 to i32
        %cond3A_314 = arith.constant 0 : i32
        %cond3A_315 = arith.cmpi ne, %convert_element_type3A_313, %cond3A_314 : i32
        scf.if %cond3A_315 {
          %dma_wait3A_330 = arith.constant 2 : i32
          %dma_wait3A_331 = arith.constant 0 : i32
          %dma_wait3A_332 = arith.constant 0 : i32
          %dma_wait3A_333 = tpu.memref_slice %arg6[%dma_wait3A_330, %dma_wait3A_331, %dma_wait3A_332] : memref<4x128x128xf32, #tpu.memory_space<vmem>> -> memref<1x128x128xf32, #tpu.memory_space<vmem>>
          %dma_wait3A_334 = tpu.memref_squeeze %dma_wait3A_333 : memref<1x128x128xf32, #tpu.memory_space<vmem>> -> memref<128x128xf32, #tpu.memory_space<vmem>>
          %dma_wait3A_335 = arith.constant 0 : i32
          %dma_wait3A_336 = arith.constant 0 : i32
          %dma_wait3A_337 = tpu.memref_slice %arg4[%dma_wait3A_335, %dma_wait3A_336] : memref<131072x128xf32, #tpu.memory_space<hbm>> -> memref<128x128xf32, #tpu.memory_space<hbm>>
          %dma_wait3A_338 = arith.constant 0 : i32
          %dma_wait3A_339 = arith.constant 0 : i32
          %dma_wait3A_340 = tpu.memref_slice %arg4[%dma_wait3A_338, %dma_wait3A_339] : memref<131072x128xf32, #tpu.memory_space<hbm>> -> memref<128x128xf32, #tpu.memory_space<hbm>>
          %dma_wait3A_341 = arith.constant 0 : i32
          %dma_wait3A_342 = arith.constant 0 : i32
          %dma_wait3A_343 = tpu.memref_slice %arg6[%dma_wait3A_330, %dma_wait3A_341, %dma_wait3A_342] : memref<4x128x128xf32, #tpu.memory_space<vmem>> -> memref<1x128x128xf32, #tpu.memory_space<vmem>>
          %dma_wait3A_344 = tpu.memref_squeeze %dma_wait3A_343 : memref<1x128x128xf32, #tpu.memory_space<vmem>> -> memref<128x128xf32, #tpu.memory_space<vmem>>
          tpu.wait_dma2 semaphore(%arg17 : memref<!tpu.dma_semaphore, #tpu.memory_space<semaphore_mem>>) src(%dma_wait3A_344 : memref<128x128xf32, #tpu.memory_space<vmem>>) dst(%dma_wait3A_340 : memref<128x128xf32, #tpu.memory_space<hbm>>)
        } else {
        }
        %add3A_316 = arith.constant 1 : i32
        %add3A_317 = arith.addi %add3A_164, %add3A_316 : i32
        %dma_start3A_318 = arith.constant 2 : i32
        %dma_start3A_319 = arith.constant 2 : i32
        %dma_start3A_320 = arith.constant 0 : i32
        %dma_start3A_321 = arith.constant 0 : i32
        %dma_start3A_322 = tpu.memref_slice %arg6[%dma_start3A_319, %dma_start3A_320, %dma_start3A_321] : memref<4x128x128xf32, #tpu.memory_space<vmem>> -> memref<1x128x128xf32, #tpu.memory_space<vmem>>
        %dma_start3A_323 = tpu.memref_squeeze %dma_start3A_322 : memref<1x128x128xf32, #tpu.memory_space<vmem>> -> memref<128x128xf32, #tpu.memory_space<vmem>>
        %dma_start3A_324 = arith.constant 0 : i32
        %dma_start3A_325 = tpu.memref_slice %arg5[%dma_start3A_318, %dma_start3A_324] : memref<4x128xi32, #tpu.memory_space<vmem>> -> memref<1x128xi32, #tpu.memory_space<vmem>>
        %dma_start3A_326 = tpu.memref_squeeze %dma_start3A_325 : memref<1x128xi32, #tpu.memory_space<vmem>> -> memref<128xi32, #tpu.memory_space<vmem>>
        %dma_start3A_327 = arith.constant 0 : i32
        %dma_start3A_328 = arith.constant 0 : i32
        %dma_start3A_329 = tpu.memref_slice %arg2[%dma_start3A_327, %dma_start3A_328] : memref<16384x128xf32, #tpu.memory_space<hbm>> -> memref<16384x128xf32, #tpu.memory_space<hbm>>
        tpu.enqueue_indirect_dma source(%dma_start3A_329 : memref<16384x128xf32, #tpu.memory_space<hbm>>) target(%dma_start3A_323 : memref<128x128xf32, #tpu.memory_space<vmem>>) offsets(%dma_start3A_326 : memref<128xi32, #tpu.memory_space<vmem>>) semaphore(%arg13 : memref<!tpu.dma_semaphore, #tpu.memory_space<semaphore_mem>>)
      } else {
      }
      %dma_wait3A_179 = arith.constant 1 : i32
      %dma_wait3A_180 = arith.constant 1 : i32
      %dma_wait3A_181 = arith.constant 0 : i32
      %dma_wait3A_182 = arith.constant 0 : i32
      %dma_wait3A_183 = tpu.memref_slice %arg6[%dma_wait3A_180, %dma_wait3A_181, %dma_wait3A_182] : memref<4x128x128xf32, #tpu.memory_space<vmem>> -> memref<1x128x128xf32, #tpu.memory_space<vmem>>
      %dma_wait3A_184 = tpu.memref_squeeze %dma_wait3A_183 : memref<1x128x128xf32, #tpu.memory_space<vmem>> -> memref<128x128xf32, #tpu.memory_space<vmem>>
      %dma_wait3A_185 = arith.constant 0 : i32
      %dma_wait3A_186 = tpu.memref_slice %arg5[%dma_wait3A_179, %dma_wait3A_185] : memref<4x128xi32, #tpu.memory_space<vmem>> -> memref<1x128xi32, #tpu.memory_space<vmem>>
      %dma_wait3A_187 = tpu.memref_squeeze %dma_wait3A_186 : memref<1x128xi32, #tpu.memory_space<vmem>> -> memref<128xi32, #tpu.memory_space<vmem>>
      %dma_wait3A_188 = arith.constant 0 : i32
      %dma_wait3A_189 = arith.constant 0 : i32
      %dma_wait3A_190 = tpu.memref_slice %arg2[%dma_wait3A_188, %dma_wait3A_189] : memref<16384x128xf32, #tpu.memory_space<hbm>> -> memref<16384x128xf32, #tpu.memory_space<hbm>>
      tpu.wait_indirect_dma semaphore(%arg12 : memref<!tpu.dma_semaphore, #tpu.memory_space<semaphore_mem>>) src(%dma_wait3A_190 : memref<16384x128xf32, #tpu.memory_space<hbm>>) dst(%dma_wait3A_184 : memref<128x128xf32, #tpu.memory_space<vmem>>)
      %mul3A_191 = arith.constant 128 : i32
      %mul3A_192 = arith.muli %add3A_164, %mul3A_191 : i32
      %add3A_193 = arith.addi %mul3A_4, %mul3A_192 : i32
      %dma_start3A_194 = arith.constant 1 : i32
      %dma_start3A_195 = arith.constant 0 : i32
      %dma_start3A_196 = arith.constant 0 : i32
      %dma_start3A_197 = tpu.memref_slice %arg6[%dma_start3A_194, %dma_start3A_195, %dma_start3A_196] : memref<4x128x128xf32, #tpu.memory_space<vmem>> -> memref<1x128x128xf32, #tpu.memory_space<vmem>>
      %dma_start3A_198 = tpu.memref_squeeze %dma_start3A_197 : memref<1x128x128xf32, #tpu.memory_space<vmem>> -> memref<128x128xf32, #tpu.memory_space<vmem>>
      %dma_start3A_199 = arith.constant 0 : i32
      %dma_start3A_200 = tpu.memref_slice %arg4[%add3A_193, %dma_start3A_199] : memref<131072x128xf32, #tpu.memory_space<hbm>> -> memref<128x128xf32, #tpu.memory_space<hbm>>
      %dma_start3A_201 = arith.constant 0 : i32
      %dma_start3A_202 = tpu.memref_slice %arg4[%add3A_193, %dma_start3A_201] : memref<131072x128xf32, #tpu.memory_space<hbm>> -> memref<128x128xf32, #tpu.memory_space<hbm>>
      %dma_start3A_203 = arith.constant 0 : i32
      %dma_start3A_204 = arith.constant 0 : i32
      %dma_start3A_205 = tpu.memref_slice %arg6[%dma_start3A_194, %dma_start3A_203, %dma_start3A_204] : memref<4x128x128xf32, #tpu.memory_space<vmem>> -> memref<1x128x128xf32, #tpu.memory_space<vmem>>
      %dma_start3A_206 = tpu.memref_squeeze %dma_start3A_205 : memref<1x128x128xf32, #tpu.memory_space<vmem>> -> memref<128x128xf32, #tpu.memory_space<vmem>>
      tpu.enqueue_dma source(%dma_start3A_206 : memref<128x128xf32, #tpu.memory_space<vmem>>) target(%dma_start3A_202 : memref<128x128xf32, #tpu.memory_space<hbm>>) target_semaphore(%arg16 : memref<!tpu.dma_semaphore, #tpu.memory_space<semaphore_mem>>)
      %mul3A_207 = arith.constant 4 : i32
      %mul3A_208 = arith.muli %scan3A_117, %mul3A_207 : i32
      %add3A_209 = arith.constant 2 : i32
      %add3A_210 = arith.addi %mul3A_208, %add3A_209 : i32
      %add3A_211 = arith.constant 2 : i32
      %add3A_212 = arith.addi %add3A_210, %add3A_211 : i32
      %lt3A_213 = arith.constant 32 : i32
      %lt3A_214 = arith.cmpi slt, %add3A_212, %lt3A_213 : i32
      %convert_element_type3A_215 = arith.extui %lt3A_214 : i1 to i32
      %cond3A_216 = arith.constant 0 : i32
      %cond3A_217 = arith.cmpi ne, %convert_element_type3A_215, %cond3A_216 : i32
      scf.if %cond3A_217 {
        %add3A_299 = arith.constant 2 : i32
        %add3A_300 = arith.addi %add3A_210, %add3A_299 : i32
        %add3A_301 = arith.constant 0 : i32
        %add3A_302 = arith.addi %add3A_301, %mul3A_4 : i32
        %mul3A_303 = arith.constant 128 : i32
        %mul3A_304 = arith.muli %add3A_300, %mul3A_303 : i32
        %add3A_305 = arith.addi %add3A_302, %mul3A_304 : i32
        %dma_start3A_306 = arith.constant 0 : i32
        %dma_start3A_307 = arith.constant 0 : i32
        %dma_start3A_308 = tpu.memref_slice %arg5[%dma_start3A_306, %dma_start3A_307] : memref<4x128xi32, #tpu.memory_space<vmem>> -> memref<1x128xi32, #tpu.memory_space<vmem>>
        %dma_start3A_309 = tpu.memref_squeeze %dma_start3A_308 : memref<1x128xi32, #tpu.memory_space<vmem>> -> memref<128xi32, #tpu.memory_space<vmem>>
        %dma_start3A_310 = tpu.memref_slice %arg3[%add3A_305] : memref<262144xi32, #tpu.memory_space<hbm>> -> memref<128xi32, #tpu.memory_space<hbm>>
        %dma_start3A_311 = arith.constant 0 : i32
        %dma_start3A_312 = tpu.memref_slice %arg5[%dma_start3A_306, %dma_start3A_311] : memref<4x128xi32, #tpu.memory_space<vmem>> -> memref<1x128xi32, #tpu.memory_space<vmem>>
        %dma_start3A_313 = tpu.memref_squeeze %dma_start3A_312 : memref<1x128xi32, #tpu.memory_space<vmem>> -> memref<128xi32, #tpu.memory_space<vmem>>
        %dma_start3A_314 = tpu.memref_slice %arg3[%add3A_305] : memref<262144xi32, #tpu.memory_space<hbm>> -> memref<128xi32, #tpu.memory_space<hbm>>
        tpu.enqueue_dma source(%dma_start3A_314 : memref<128xi32, #tpu.memory_space<hbm>>) target(%dma_start3A_313 : memref<128xi32, #tpu.memory_space<vmem>>) target_semaphore(%arg7 : memref<!tpu.dma_semaphore, #tpu.memory_space<semaphore_mem>>)
      } else {
      }
      %add3A_218 = arith.constant 1 : i32
      %add3A_219 = arith.addi %add3A_210, %add3A_218 : i32
      %lt3A_220 = arith.constant 32 : i32
      %lt3A_221 = arith.cmpi slt, %add3A_219, %lt3A_220 : i32
      %convert_element_type3A_222 = arith.extui %lt3A_221 : i1 to i32
      %cond3A_223 = arith.constant 0 : i32
      %cond3A_224 = arith.cmpi ne, %convert_element_type3A_222, %cond3A_223 : i32
      scf.if %cond3A_224 {
        %dma_wait3A_299 = arith.constant 3 : i32
        %dma_wait3A_300 = arith.constant 0 : i32
        %dma_wait3A_301 = tpu.memref_slice %arg5[%dma_wait3A_299, %dma_wait3A_300] : memref<4x128xi32, #tpu.memory_space<vmem>> -> memref<1x128xi32, #tpu.memory_space<vmem>>
        %dma_wait3A_302 = tpu.memref_squeeze %dma_wait3A_301 : memref<1x128xi32, #tpu.memory_space<vmem>> -> memref<128xi32, #tpu.memory_space<vmem>>
        %dma_wait3A_303 = arith.constant 0 : i32
        %dma_wait3A_304 = tpu.memref_slice %arg3[%dma_wait3A_303] : memref<262144xi32, #tpu.memory_space<hbm>> -> memref<128xi32, #tpu.memory_space<hbm>>
        %dma_wait3A_305 = arith.constant 0 : i32
        %dma_wait3A_306 = tpu.memref_slice %arg5[%dma_wait3A_299, %dma_wait3A_305] : memref<4x128xi32, #tpu.memory_space<vmem>> -> memref<1x128xi32, #tpu.memory_space<vmem>>
        %dma_wait3A_307 = tpu.memref_squeeze %dma_wait3A_306 : memref<1x128xi32, #tpu.memory_space<vmem>> -> memref<128xi32, #tpu.memory_space<vmem>>
        %dma_wait3A_308 = arith.constant 0 : i32
        %dma_wait3A_309 = tpu.memref_slice %arg3[%dma_wait3A_308] : memref<262144xi32, #tpu.memory_space<hbm>> -> memref<128xi32, #tpu.memory_space<hbm>>
        tpu.wait_dma2 semaphore(%arg10 : memref<!tpu.dma_semaphore, #tpu.memory_space<semaphore_mem>>) src(%dma_wait3A_309 : memref<128xi32, #tpu.memory_space<hbm>>) dst(%dma_wait3A_307 : memref<128xi32, #tpu.memory_space<vmem>>)
        %add3A_310 = arith.constant 1 : i32
        %add3A_311 = arith.addi %add3A_210, %add3A_310 : i32
        %ge3A = arith.constant 4 : i32
        %ge3A_312 = arith.cmpi sge, %add3A_311, %ge3A : i32
        %convert_element_type3A_313 = arith.extui %ge3A_312 : i1 to i32
        %cond3A_314 = arith.constant 0 : i32
        %cond3A_315 = arith.cmpi ne, %convert_element_type3A_313, %cond3A_314 : i32
        scf.if %cond3A_315 {
          %dma_wait3A_330 = arith.constant 3 : i32
          %dma_wait3A_331 = arith.constant 0 : i32
          %dma_wait3A_332 = arith.constant 0 : i32
          %dma_wait3A_333 = tpu.memref_slice %arg6[%dma_wait3A_330, %dma_wait3A_331, %dma_wait3A_332] : memref<4x128x128xf32, #tpu.memory_space<vmem>> -> memref<1x128x128xf32, #tpu.memory_space<vmem>>
          %dma_wait3A_334 = tpu.memref_squeeze %dma_wait3A_333 : memref<1x128x128xf32, #tpu.memory_space<vmem>> -> memref<128x128xf32, #tpu.memory_space<vmem>>
          %dma_wait3A_335 = arith.constant 0 : i32
          %dma_wait3A_336 = arith.constant 0 : i32
          %dma_wait3A_337 = tpu.memref_slice %arg4[%dma_wait3A_335, %dma_wait3A_336] : memref<131072x128xf32, #tpu.memory_space<hbm>> -> memref<128x128xf32, #tpu.memory_space<hbm>>
          %dma_wait3A_338 = arith.constant 0 : i32
          %dma_wait3A_339 = arith.constant 0 : i32
          %dma_wait3A_340 = tpu.memref_slice %arg4[%dma_wait3A_338, %dma_wait3A_339] : memref<131072x128xf32, #tpu.memory_space<hbm>> -> memref<128x128xf32, #tpu.memory_space<hbm>>
          %dma_wait3A_341 = arith.constant 0 : i32
          %dma_wait3A_342 = arith.constant 0 : i32
          %dma_wait3A_343 = tpu.memref_slice %arg6[%dma_wait3A_330, %dma_wait3A_341, %dma_wait3A_342] : memref<4x128x128xf32, #tpu.memory_space<vmem>> -> memref<1x128x128xf32, #tpu.memory_space<vmem>>
          %dma_wait3A_344 = tpu.memref_squeeze %dma_wait3A_343 : memref<1x128x128xf32, #tpu.memory_space<vmem>> -> memref<128x128xf32, #tpu.memory_space<vmem>>
          tpu.wait_dma2 semaphore(%arg18 : memref<!tpu.dma_semaphore, #tpu.memory_space<semaphore_mem>>) src(%dma_wait3A_344 : memref<128x128xf32, #tpu.memory_space<vmem>>) dst(%dma_wait3A_340 : memref<128x128xf32, #tpu.memory_space<hbm>>)
        } else {
        }
        %add3A_316 = arith.constant 1 : i32
        %add3A_317 = arith.addi %add3A_210, %add3A_316 : i32
        %dma_start3A_318 = arith.constant 3 : i32
        %dma_start3A_319 = arith.constant 3 : i32
        %dma_start3A_320 = arith.constant 0 : i32
        %dma_start3A_321 = arith.constant 0 : i32
        %dma_start3A_322 = tpu.memref_slice %arg6[%dma_start3A_319, %dma_start3A_320, %dma_start3A_321] : memref<4x128x128xf32, #tpu.memory_space<vmem>> -> memref<1x128x128xf32, #tpu.memory_space<vmem>>
        %dma_start3A_323 = tpu.memref_squeeze %dma_start3A_322 : memref<1x128x128xf32, #tpu.memory_space<vmem>> -> memref<128x128xf32, #tpu.memory_space<vmem>>
        %dma_start3A_324 = arith.constant 0 : i32
        %dma_start3A_325 = tpu.memref_slice %arg5[%dma_start3A_318, %dma_start3A_324] : memref<4x128xi32, #tpu.memory_space<vmem>> -> memref<1x128xi32, #tpu.memory_space<vmem>>
        %dma_start3A_326 = tpu.memref_squeeze %dma_start3A_325 : memref<1x128xi32, #tpu.memory_space<vmem>> -> memref<128xi32, #tpu.memory_space<vmem>>
        %dma_start3A_327 = arith.constant 0 : i32
        %dma_start3A_328 = arith.constant 0 : i32
        %dma_start3A_329 = tpu.memref_slice %arg2[%dma_start3A_327, %dma_start3A_328] : memref<16384x128xf32, #tpu.memory_space<hbm>> -> memref<16384x128xf32, #tpu.memory_space<hbm>>
        tpu.enqueue_indirect_dma source(%dma_start3A_329 : memref<16384x128xf32, #tpu.memory_space<hbm>>) target(%dma_start3A_323 : memref<128x128xf32, #tpu.memory_space<vmem>>) offsets(%dma_start3A_326 : memref<128xi32, #tpu.memory_space<vmem>>) semaphore(%arg14 : memref<!tpu.dma_semaphore, #tpu.memory_space<semaphore_mem>>)
      } else {
      }
      %dma_wait3A_225 = arith.constant 2 : i32
      %dma_wait3A_226 = arith.constant 2 : i32
      %dma_wait3A_227 = arith.constant 0 : i32
      %dma_wait3A_228 = arith.constant 0 : i32
      %dma_wait3A_229 = tpu.memref_slice %arg6[%dma_wait3A_226, %dma_wait3A_227, %dma_wait3A_228] : memref<4x128x128xf32, #tpu.memory_space<vmem>> -> memref<1x128x128xf32, #tpu.memory_space<vmem>>
      %dma_wait3A_230 = tpu.memref_squeeze %dma_wait3A_229 : memref<1x128x128xf32, #tpu.memory_space<vmem>> -> memref<128x128xf32, #tpu.memory_space<vmem>>
      %dma_wait3A_231 = arith.constant 0 : i32
      %dma_wait3A_232 = tpu.memref_slice %arg5[%dma_wait3A_225, %dma_wait3A_231] : memref<4x128xi32, #tpu.memory_space<vmem>> -> memref<1x128xi32, #tpu.memory_space<vmem>>
      %dma_wait3A_233 = tpu.memref_squeeze %dma_wait3A_232 : memref<1x128xi32, #tpu.memory_space<vmem>> -> memref<128xi32, #tpu.memory_space<vmem>>
      %dma_wait3A_234 = arith.constant 0 : i32
      %dma_wait3A_235 = arith.constant 0 : i32
      %dma_wait3A_236 = tpu.memref_slice %arg2[%dma_wait3A_234, %dma_wait3A_235] : memref<16384x128xf32, #tpu.memory_space<hbm>> -> memref<16384x128xf32, #tpu.memory_space<hbm>>
      tpu.wait_indirect_dma semaphore(%arg13 : memref<!tpu.dma_semaphore, #tpu.memory_space<semaphore_mem>>) src(%dma_wait3A_236 : memref<16384x128xf32, #tpu.memory_space<hbm>>) dst(%dma_wait3A_230 : memref<128x128xf32, #tpu.memory_space<vmem>>)
      %mul3A_237 = arith.constant 128 : i32
      %mul3A_238 = arith.muli %add3A_210, %mul3A_237 : i32
      %add3A_239 = arith.addi %mul3A_4, %mul3A_238 : i32
      %dma_start3A_240 = arith.constant 2 : i32
      %dma_start3A_241 = arith.constant 0 : i32
      %dma_start3A_242 = arith.constant 0 : i32
      %dma_start3A_243 = tpu.memref_slice %arg6[%dma_start3A_240, %dma_start3A_241, %dma_start3A_242] : memref<4x128x128xf32, #tpu.memory_space<vmem>> -> memref<1x128x128xf32, #tpu.memory_space<vmem>>
      %dma_start3A_244 = tpu.memref_squeeze %dma_start3A_243 : memref<1x128x128xf32, #tpu.memory_space<vmem>> -> memref<128x128xf32, #tpu.memory_space<vmem>>
      %dma_start3A_245 = arith.constant 0 : i32
      %dma_start3A_246 = tpu.memref_slice %arg4[%add3A_239, %dma_start3A_245] : memref<131072x128xf32, #tpu.memory_space<hbm>> -> memref<128x128xf32, #tpu.memory_space<hbm>>
      %dma_start3A_247 = arith.constant 0 : i32
      %dma_start3A_248 = tpu.memref_slice %arg4[%add3A_239, %dma_start3A_247] : memref<131072x128xf32, #tpu.memory_space<hbm>> -> memref<128x128xf32, #tpu.memory_space<hbm>>
      %dma_start3A_249 = arith.constant 0 : i32
      %dma_start3A_250 = arith.constant 0 : i32
      %dma_start3A_251 = tpu.memref_slice %arg6[%dma_start3A_240, %dma_start3A_249, %dma_start3A_250] : memref<4x128x128xf32, #tpu.memory_space<vmem>> -> memref<1x128x128xf32, #tpu.memory_space<vmem>>
      %dma_start3A_252 = tpu.memref_squeeze %dma_start3A_251 : memref<1x128x128xf32, #tpu.memory_space<vmem>> -> memref<128x128xf32, #tpu.memory_space<vmem>>
      tpu.enqueue_dma source(%dma_start3A_252 : memref<128x128xf32, #tpu.memory_space<vmem>>) target(%dma_start3A_248 : memref<128x128xf32, #tpu.memory_space<hbm>>) target_semaphore(%arg17 : memref<!tpu.dma_semaphore, #tpu.memory_space<semaphore_mem>>)
      %mul3A_253 = arith.constant 4 : i32
      %mul3A_254 = arith.muli %scan3A_117, %mul3A_253 : i32
      %add3A_255 = arith.constant 3 : i32
      %add3A_256 = arith.addi %mul3A_254, %add3A_255 : i32
      %add3A_257 = arith.constant 2 : i32
      %add3A_258 = arith.addi %add3A_256, %add3A_257 : i32
      %lt3A_259 = arith.constant 32 : i32
      %lt3A_260 = arith.cmpi slt, %add3A_258, %lt3A_259 : i32
      %convert_element_type3A_261 = arith.extui %lt3A_260 : i1 to i32
      %cond3A_262 = arith.constant 0 : i32
      %cond3A_263 = arith.cmpi ne, %convert_element_type3A_261, %cond3A_262 : i32
      scf.if %cond3A_263 {
        %add3A_299 = arith.constant 2 : i32
        %add3A_300 = arith.addi %add3A_256, %add3A_299 : i32
        %add3A_301 = arith.constant 0 : i32
        %add3A_302 = arith.addi %add3A_301, %mul3A_4 : i32
        %mul3A_303 = arith.constant 128 : i32
        %mul3A_304 = arith.muli %add3A_300, %mul3A_303 : i32
        %add3A_305 = arith.addi %add3A_302, %mul3A_304 : i32
        %dma_start3A_306 = arith.constant 1 : i32
        %dma_start3A_307 = arith.constant 0 : i32
        %dma_start3A_308 = tpu.memref_slice %arg5[%dma_start3A_306, %dma_start3A_307] : memref<4x128xi32, #tpu.memory_space<vmem>> -> memref<1x128xi32, #tpu.memory_space<vmem>>
        %dma_start3A_309 = tpu.memref_squeeze %dma_start3A_308 : memref<1x128xi32, #tpu.memory_space<vmem>> -> memref<128xi32, #tpu.memory_space<vmem>>
        %dma_start3A_310 = tpu.memref_slice %arg3[%add3A_305] : memref<262144xi32, #tpu.memory_space<hbm>> -> memref<128xi32, #tpu.memory_space<hbm>>
        %dma_start3A_311 = arith.constant 0 : i32
        %dma_start3A_312 = tpu.memref_slice %arg5[%dma_start3A_306, %dma_start3A_311] : memref<4x128xi32, #tpu.memory_space<vmem>> -> memref<1x128xi32, #tpu.memory_space<vmem>>
        %dma_start3A_313 = tpu.memref_squeeze %dma_start3A_312 : memref<1x128xi32, #tpu.memory_space<vmem>> -> memref<128xi32, #tpu.memory_space<vmem>>
        %dma_start3A_314 = tpu.memref_slice %arg3[%add3A_305] : memref<262144xi32, #tpu.memory_space<hbm>> -> memref<128xi32, #tpu.memory_space<hbm>>
        tpu.enqueue_dma source(%dma_start3A_314 : memref<128xi32, #tpu.memory_space<hbm>>) target(%dma_start3A_313 : memref<128xi32, #tpu.memory_space<vmem>>) target_semaphore(%arg8 : memref<!tpu.dma_semaphore, #tpu.memory_space<semaphore_mem>>)
      } else {
      }
      %add3A_264 = arith.constant 1 : i32
      %add3A_265 = arith.addi %add3A_256, %add3A_264 : i32
      %lt3A_266 = arith.constant 32 : i32
      %lt3A_267 = arith.cmpi slt, %add3A_265, %lt3A_266 : i32
      %convert_element_type3A_268 = arith.extui %lt3A_267 : i1 to i32
      %cond3A_269 = arith.constant 0 : i32
      %cond3A_270 = arith.cmpi ne, %convert_element_type3A_268, %cond3A_269 : i32
      scf.if %cond3A_270 {
        %dma_wait3A_299 = arith.constant 0 : i32
        %dma_wait3A_300 = arith.constant 0 : i32
        %dma_wait3A_301 = tpu.memref_slice %arg5[%dma_wait3A_299, %dma_wait3A_300] : memref<4x128xi32, #tpu.memory_space<vmem>> -> memref<1x128xi32, #tpu.memory_space<vmem>>
        %dma_wait3A_302 = tpu.memref_squeeze %dma_wait3A_301 : memref<1x128xi32, #tpu.memory_space<vmem>> -> memref<128xi32, #tpu.memory_space<vmem>>
        %dma_wait3A_303 = arith.constant 0 : i32
        %dma_wait3A_304 = tpu.memref_slice %arg3[%dma_wait3A_303] : memref<262144xi32, #tpu.memory_space<hbm>> -> memref<128xi32, #tpu.memory_space<hbm>>
        %dma_wait3A_305 = arith.constant 0 : i32
        %dma_wait3A_306 = tpu.memref_slice %arg5[%dma_wait3A_299, %dma_wait3A_305] : memref<4x128xi32, #tpu.memory_space<vmem>> -> memref<1x128xi32, #tpu.memory_space<vmem>>
        %dma_wait3A_307 = tpu.memref_squeeze %dma_wait3A_306 : memref<1x128xi32, #tpu.memory_space<vmem>> -> memref<128xi32, #tpu.memory_space<vmem>>
        %dma_wait3A_308 = arith.constant 0 : i32
        %dma_wait3A_309 = tpu.memref_slice %arg3[%dma_wait3A_308] : memref<262144xi32, #tpu.memory_space<hbm>> -> memref<128xi32, #tpu.memory_space<hbm>>
        tpu.wait_dma2 semaphore(%arg7 : memref<!tpu.dma_semaphore, #tpu.memory_space<semaphore_mem>>) src(%dma_wait3A_309 : memref<128xi32, #tpu.memory_space<hbm>>) dst(%dma_wait3A_307 : memref<128xi32, #tpu.memory_space<vmem>>)
        %add3A_310 = arith.constant 1 : i32
        %add3A_311 = arith.addi %add3A_256, %add3A_310 : i32
        %ge3A = arith.constant 4 : i32
        %ge3A_312 = arith.cmpi sge, %add3A_311, %ge3A : i32
        %convert_element_type3A_313 = arith.extui %ge3A_312 : i1 to i32
        %cond3A_314 = arith.constant 0 : i32
        %cond3A_315 = arith.cmpi ne, %convert_element_type3A_313, %cond3A_314 : i32
        scf.if %cond3A_315 {
          %dma_wait3A_330 = arith.constant 0 : i32
          %dma_wait3A_331 = arith.constant 0 : i32
          %dma_wait3A_332 = arith.constant 0 : i32
          %dma_wait3A_333 = tpu.memref_slice %arg6[%dma_wait3A_330, %dma_wait3A_331, %dma_wait3A_332] : memref<4x128x128xf32, #tpu.memory_space<vmem>> -> memref<1x128x128xf32, #tpu.memory_space<vmem>>
          %dma_wait3A_334 = tpu.memref_squeeze %dma_wait3A_333 : memref<1x128x128xf32, #tpu.memory_space<vmem>> -> memref<128x128xf32, #tpu.memory_space<vmem>>
          %dma_wait3A_335 = arith.constant 0 : i32
          %dma_wait3A_336 = arith.constant 0 : i32
          %dma_wait3A_337 = tpu.memref_slice %arg4[%dma_wait3A_335, %dma_wait3A_336] : memref<131072x128xf32, #tpu.memory_space<hbm>> -> memref<128x128xf32, #tpu.memory_space<hbm>>
          %dma_wait3A_338 = arith.constant 0 : i32
          %dma_wait3A_339 = arith.constant 0 : i32
          %dma_wait3A_340 = tpu.memref_slice %arg4[%dma_wait3A_338, %dma_wait3A_339] : memref<131072x128xf32, #tpu.memory_space<hbm>> -> memref<128x128xf32, #tpu.memory_space<hbm>>
          %dma_wait3A_341 = arith.constant 0 : i32
          %dma_wait3A_342 = arith.constant 0 : i32
          %dma_wait3A_343 = tpu.memref_slice %arg6[%dma_wait3A_330, %dma_wait3A_341, %dma_wait3A_342] : memref<4x128x128xf32, #tpu.memory_space<vmem>> -> memref<1x128x128xf32, #tpu.memory_space<vmem>>
          %dma_wait3A_344 = tpu.memref_squeeze %dma_wait3A_343 : memref<1x128x128xf32, #tpu.memory_space<vmem>> -> memref<128x128xf32, #tpu.memory_space<vmem>>
          tpu.wait_dma2 semaphore(%arg15 : memref<!tpu.dma_semaphore, #tpu.memory_space<semaphore_mem>>) src(%dma_wait3A_344 : memref<128x128xf32, #tpu.memory_space<vmem>>) dst(%dma_wait3A_340 : memref<128x128xf32, #tpu.memory_space<hbm>>)
        } else {
        }
        %add3A_316 = arith.constant 1 : i32
        %add3A_317 = arith.addi %add3A_256, %add3A_316 : i32
        %dma_start3A_318 = arith.constant 0 : i32
        %dma_start3A_319 = arith.constant 0 : i32
        %dma_start3A_320 = arith.constant 0 : i32
        %dma_start3A_321 = arith.constant 0 : i32
        %dma_start3A_322 = tpu.memref_slice %arg6[%dma_start3A_319, %dma_start3A_320, %dma_start3A_321] : memref<4x128x128xf32, #tpu.memory_space<vmem>> -> memref<1x128x128xf32, #tpu.memory_space<vmem>>
        %dma_start3A_323 = tpu.memref_squeeze %dma_start3A_322 : memref<1x128x128xf32, #tpu.memory_space<vmem>> -> memref<128x128xf32, #tpu.memory_space<vmem>>
        %dma_start3A_324 = arith.constant 0 : i32
        %dma_start3A_325 = tpu.memref_slice %arg5[%dma_start3A_318, %dma_start3A_324] : memref<4x128xi32, #tpu.memory_space<vmem>> -> memref<1x128xi32, #tpu.memory_space<vmem>>
        %dma_start3A_326 = tpu.memref_squeeze %dma_start3A_325 : memref<1x128xi32, #tpu.memory_space<vmem>> -> memref<128xi32, #tpu.memory_space<vmem>>
        %dma_start3A_327 = arith.constant 0 : i32
        %dma_start3A_328 = arith.constant 0 : i32
        %dma_start3A_329 = tpu.memref_slice %arg2[%dma_start3A_327, %dma_start3A_328] : memref<16384x128xf32, #tpu.memory_space<hbm>> -> memref<16384x128xf32, #tpu.memory_space<hbm>>
        tpu.enqueue_indirect_dma source(%dma_start3A_329 : memref<16384x128xf32, #tpu.memory_space<hbm>>) target(%dma_start3A_323 : memref<128x128xf32, #tpu.memory_space<vmem>>) offsets(%dma_start3A_326 : memref<128xi32, #tpu.memory_space<vmem>>) semaphore(%arg11 : memref<!tpu.dma_semaphore, #tpu.memory_space<semaphore_mem>>)
      } else {
      }
      %dma_wait3A_271 = arith.constant 3 : i32
      %dma_wait3A_272 = arith.constant 3 : i32
      %dma_wait3A_273 = arith.constant 0 : i32
      %dma_wait3A_274 = arith.constant 0 : i32
      %dma_wait3A_275 = tpu.memref_slice %arg6[%dma_wait3A_272, %dma_wait3A_273, %dma_wait3A_274] : memref<4x128x128xf32, #tpu.memory_space<vmem>> -> memref<1x128x128xf32, #tpu.memory_space<vmem>>
      %dma_wait3A_276 = tpu.memref_squeeze %dma_wait3A_275 : memref<1x128x128xf32, #tpu.memory_space<vmem>> -> memref<128x128xf32, #tpu.memory_space<vmem>>
      %dma_wait3A_277 = arith.constant 0 : i32
      %dma_wait3A_278 = tpu.memref_slice %arg5[%dma_wait3A_271, %dma_wait3A_277] : memref<4x128xi32, #tpu.memory_space<vmem>> -> memref<1x128xi32, #tpu.memory_space<vmem>>
      %dma_wait3A_279 = tpu.memref_squeeze %dma_wait3A_278 : memref<1x128xi32, #tpu.memory_space<vmem>> -> memref<128xi32, #tpu.memory_space<vmem>>
      %dma_wait3A_280 = arith.constant 0 : i32
      %dma_wait3A_281 = arith.constant 0 : i32
      %dma_wait3A_282 = tpu.memref_slice %arg2[%dma_wait3A_280, %dma_wait3A_281] : memref<16384x128xf32, #tpu.memory_space<hbm>> -> memref<16384x128xf32, #tpu.memory_space<hbm>>
      tpu.wait_indirect_dma semaphore(%arg14 : memref<!tpu.dma_semaphore, #tpu.memory_space<semaphore_mem>>) src(%dma_wait3A_282 : memref<16384x128xf32, #tpu.memory_space<hbm>>) dst(%dma_wait3A_276 : memref<128x128xf32, #tpu.memory_space<vmem>>)
      %mul3A_283 = arith.constant 128 : i32
      %mul3A_284 = arith.muli %add3A_256, %mul3A_283 : i32
      %add3A_285 = arith.addi %mul3A_4, %mul3A_284 : i32
      %dma_start3A_286 = arith.constant 3 : i32
      %dma_start3A_287 = arith.constant 0 : i32
      %dma_start3A_288 = arith.constant 0 : i32
      %dma_start3A_289 = tpu.memref_slice %arg6[%dma_start3A_286, %dma_start3A_287, %dma_start3A_288] : memref<4x128x128xf32, #tpu.memory_space<vmem>> -> memref<1x128x128xf32, #tpu.memory_space<vmem>>
      %dma_start3A_290 = tpu.memref_squeeze %dma_start3A_289 : memref<1x128x128xf32, #tpu.memory_space<vmem>> -> memref<128x128xf32, #tpu.memory_space<vmem>>
      %dma_start3A_291 = arith.constant 0 : i32
      %dma_start3A_292 = tpu.memref_slice %arg4[%add3A_285, %dma_start3A_291] : memref<131072x128xf32, #tpu.memory_space<hbm>> -> memref<128x128xf32, #tpu.memory_space<hbm>>
      %dma_start3A_293 = arith.constant 0 : i32
      %dma_start3A_294 = tpu.memref_slice %arg4[%add3A_285, %dma_start3A_293] : memref<131072x128xf32, #tpu.memory_space<hbm>> -> memref<128x128xf32, #tpu.memory_space<hbm>>
      %dma_start3A_295 = arith.constant 0 : i32
      %dma_start3A_296 = arith.constant 0 : i32
      %dma_start3A_297 = tpu.memref_slice %arg6[%dma_start3A_286, %dma_start3A_295, %dma_start3A_296] : memref<4x128x128xf32, #tpu.memory_space<vmem>> -> memref<1x128x128xf32, #tpu.memory_space<vmem>>
      %dma_start3A_298 = tpu.memref_squeeze %dma_start3A_297 : memref<1x128x128xf32, #tpu.memory_space<vmem>> -> memref<128x128xf32, #tpu.memory_space<vmem>>
      tpu.enqueue_dma source(%dma_start3A_298 : memref<128x128xf32, #tpu.memory_space<vmem>>) target(%dma_start3A_294 : memref<128x128xf32, #tpu.memory_space<hbm>>) target_semaphore(%arg18 : memref<!tpu.dma_semaphore, #tpu.memory_space<semaphore_mem>>)
    }
    %scan3A_56 = arith.constant 8 : i32
    %dma_wait3A_57 = arith.constant 3 : i32
    %dma_wait3A_58 = arith.constant 0 : i32
    %dma_wait3A_59 = arith.constant 0 : i32
    %dma_wait3A_60 = tpu.memref_slice %arg6[%dma_wait3A_57, %dma_wait3A_58, %dma_wait3A_59] : memref<4x128x128xf32, #tpu.memory_space<vmem>> -> memref<1x128x128xf32, #tpu.memory_space<vmem>>
    %dma_wait3A_61 = tpu.memref_squeeze %dma_wait3A_60 : memref<1x128x128xf32, #tpu.memory_space<vmem>> -> memref<128x128xf32, #tpu.memory_space<vmem>>
    %dma_wait3A_62 = arith.constant 0 : i32
    %dma_wait3A_63 = arith.constant 0 : i32
    %dma_wait3A_64 = tpu.memref_slice %arg4[%dma_wait3A_62, %dma_wait3A_63] : memref<131072x128xf32, #tpu.memory_space<hbm>> -> memref<128x128xf32, #tpu.memory_space<hbm>>
    %dma_wait3A_65 = arith.constant 0 : i32
    %dma_wait3A_66 = arith.constant 0 : i32
    %dma_wait3A_67 = tpu.memref_slice %arg4[%dma_wait3A_65, %dma_wait3A_66] : memref<131072x128xf32, #tpu.memory_space<hbm>> -> memref<128x128xf32, #tpu.memory_space<hbm>>
    %dma_wait3A_68 = arith.constant 0 : i32
    %dma_wait3A_69 = arith.constant 0 : i32
    %dma_wait3A_70 = tpu.memref_slice %arg6[%dma_wait3A_57, %dma_wait3A_68, %dma_wait3A_69] : memref<4x128x128xf32, #tpu.memory_space<vmem>> -> memref<1x128x128xf32, #tpu.memory_space<vmem>>
    %dma_wait3A_71 = tpu.memref_squeeze %dma_wait3A_70 : memref<1x128x128xf32, #tpu.memory_space<vmem>> -> memref<128x128xf32, #tpu.memory_space<vmem>>
    tpu.wait_dma2 semaphore(%arg18 : memref<!tpu.dma_semaphore, #tpu.memory_space<semaphore_mem>>) src(%dma_wait3A_71 : memref<128x128xf32, #tpu.memory_space<vmem>>) dst(%dma_wait3A_67 : memref<128x128xf32, #tpu.memory_space<hbm>>)
    %dma_wait3A_72 = arith.constant 2 : i32
    %dma_wait3A_73 = arith.constant 0 : i32
    %dma_wait3A_74 = arith.constant 0 : i32
    %dma_wait3A_75 = tpu.memref_slice %arg6[%dma_wait3A_72, %dma_wait3A_73, %dma_wait3A_74] : memref<4x128x128xf32, #tpu.memory_space<vmem>> -> memref<1x128x128xf32, #tpu.memory_space<vmem>>
    %dma_wait3A_76 = tpu.memref_squeeze %dma_wait3A_75 : memref<1x128x128xf32, #tpu.memory_space<vmem>> -> memref<128x128xf32, #tpu.memory_space<vmem>>
    %dma_wait3A_77 = arith.constant 0 : i32
    %dma_wait3A_78 = arith.constant 0 : i32
    %dma_wait3A_79 = tpu.memref_slice %arg4[%dma_wait3A_77, %dma_wait3A_78] : memref<131072x128xf32, #tpu.memory_space<hbm>> -> memref<128x128xf32, #tpu.memory_space<hbm>>
    %dma_wait3A_80 = arith.constant 0 : i32
    %dma_wait3A_81 = arith.constant 0 : i32
    %dma_wait3A_82 = tpu.memref_slice %arg4[%dma_wait3A_80, %dma_wait3A_81] : memref<131072x128xf32, #tpu.memory_space<hbm>> -> memref<128x128xf32, #tpu.memory_space<hbm>>
    %dma_wait3A_83 = arith.constant 0 : i32
    %dma_wait3A_84 = arith.constant 0 : i32
    %dma_wait3A_85 = tpu.memref_slice %arg6[%dma_wait3A_72, %dma_wait3A_83, %dma_wait3A_84] : memref<4x128x128xf32, #tpu.memory_space<vmem>> -> memref<1x128x128xf32, #tpu.memory_space<vmem>>
    %dma_wait3A_86 = tpu.memref_squeeze %dma_wait3A_85 : memref<1x128x128xf32, #tpu.memory_space<vmem>> -> memref<128x128xf32, #tpu.memory_space<vmem>>
    tpu.wait_dma2 semaphore(%arg17 : memref<!tpu.dma_semaphore, #tpu.memory_space<semaphore_mem>>) src(%dma_wait3A_86 : memref<128x128xf32, #tpu.memory_space<vmem>>) dst(%dma_wait3A_82 : memref<128x128xf32, #tpu.memory_space<hbm>>)
    %dma_wait3A_87 = arith.constant 1 : i32
    %dma_wait3A_88 = arith.constant 0 : i32
    %dma_wait3A_89 = arith.constant 0 : i32
    %dma_wait3A_90 = tpu.memref_slice %arg6[%dma_wait3A_87, %dma_wait3A_88, %dma_wait3A_89] : memref<4x128x128xf32, #tpu.memory_space<vmem>> -> memref<1x128x128xf32, #tpu.memory_space<vmem>>
    %dma_wait3A_91 = tpu.memref_squeeze %dma_wait3A_90 : memref<1x128x128xf32, #tpu.memory_space<vmem>> -> memref<128x128xf32, #tpu.memory_space<vmem>>
    %dma_wait3A_92 = arith.constant 0 : i32
    %dma_wait3A_93 = arith.constant 0 : i32
    %dma_wait3A_94 = tpu.memref_slice %arg4[%dma_wait3A_92, %dma_wait3A_93] : memref<131072x128xf32, #tpu.memory_space<hbm>> -> memref<128x128xf32, #tpu.memory_space<hbm>>
    %dma_wait3A_95 = arith.constant 0 : i32
    %dma_wait3A_96 = arith.constant 0 : i32
    %dma_wait3A_97 = tpu.memref_slice %arg4[%dma_wait3A_95, %dma_wait3A_96] : memref<131072x128xf32, #tpu.memory_space<hbm>> -> memref<128x128xf32, #tpu.memory_space<hbm>>
    %dma_wait3A_98 = arith.constant 0 : i32
    %dma_wait3A_99 = arith.constant 0 : i32
    %dma_wait3A_100 = tpu.memref_slice %arg6[%dma_wait3A_87, %dma_wait3A_98, %dma_wait3A_99] : memref<4x128x128xf32, #tpu.memory_space<vmem>> -> memref<1x128x128xf32, #tpu.memory_space<vmem>>
    %dma_wait3A_101 = tpu.memref_squeeze %dma_wait3A_100 : memref<1x128x128xf32, #tpu.memory_space<vmem>> -> memref<128x128xf32, #tpu.memory_space<vmem>>
    tpu.wait_dma2 semaphore(%arg16 : memref<!tpu.dma_semaphore, #tpu.memory_space<semaphore_mem>>) src(%dma_wait3A_101 : memref<128x128xf32, #tpu.memory_space<vmem>>) dst(%dma_wait3A_97 : memref<128x128xf32, #tpu.memory_space<hbm>>)
    %dma_wait3A_102 = arith.constant 0 : i32
    %dma_wait3A_103 = arith.constant 0 : i32
    %dma_wait3A_104 = arith.constant 0 : i32
    %dma_wait3A_105 = tpu.memref_slice %arg6[%dma_wait3A_102, %dma_wait3A_103, %dma_wait3A_104] : memref<4x128x128xf32, #tpu.memory_space<vmem>> -> memref<1x128x128xf32, #tpu.memory_space<vmem>>
    %dma_wait3A_106 = tpu.memref_squeeze %dma_wait3A_105 : memref<1x128x128xf32, #tpu.memory_space<vmem>> -> memref<128x128xf32, #tpu.memory_space<vmem>>
    %dma_wait3A_107 = arith.constant 0 : i32
    %dma_wait3A_108 = arith.constant 0 : i32
    %dma_wait3A_109 = tpu.memref_slice %arg4[%dma_wait3A_107, %dma_wait3A_108] : memref<131072x128xf32, #tpu.memory_space<hbm>> -> memref<128x128xf32, #tpu.memory_space<hbm>>
    %dma_wait3A_110 = arith.constant 0 : i32
    %dma_wait3A_111 = arith.constant 0 : i32
    %dma_wait3A_112 = tpu.memref_slice %arg4[%dma_wait3A_110, %dma_wait3A_111] : memref<131072x128xf32, #tpu.memory_space<hbm>> -> memref<128x128xf32, #tpu.memory_space<hbm>>
    %dma_wait3A_113 = arith.constant 0 : i32
    %dma_wait3A_114 = arith.constant 0 : i32
    %dma_wait3A_115 = tpu.memref_slice %arg6[%dma_wait3A_102, %dma_wait3A_113, %dma_wait3A_114] : memref<4x128x128xf32, #tpu.memory_space<vmem>> -> memref<1x128x128xf32, #tpu.memory_space<vmem>>
    %dma_wait3A_116 = tpu.memref_squeeze %dma_wait3A_115 : memref<1x128x128xf32, #tpu.memory_space<vmem>> -> memref<128x128xf32, #tpu.memory_space<vmem>>
    tpu.wait_dma2 semaphore(%arg15 : memref<!tpu.dma_semaphore, #tpu.memory_space<semaphore_mem>>) src(%dma_wait3A_116 : memref<128x128xf32, #tpu.memory_space<vmem>>) dst(%dma_wait3A_112 : memref<128x128xf32, #tpu.memory_space<hbm>>)
    return
  }
}

</mosaic_0001>

<sc_bundles>
// kernel: _sc_gather.3.cloned.1.call-start
scs
__scs_entry_jumppad:
0x0: {  	(pc) =	sbr.rel $0x88, $3  }
0x1: {  	(tag) =	ssettag $0x0;
	lr =	simm.s32 $0x1  }
0x2: {  	[smem:$0x3F9F] =	sst lr;
	_ =	strace $0xD0000000  }
0x3: {  	_ = 	snop  }
0x4: {  	_ = 	snop  }
0x5: {  	_ = 	snop  }
0x6: {  	_ = 	snop  }
0x7: {  	_ = 	snop  }
__scs_overlays_trampoline_lowered:
0x8: {  	[smem:$0x3FAE] =	sst s0  }
0x9: {  	[smem:$0x3FAF] =	sst s1  }
0xa: {  	[smem:$0x3FB0] =	sst s2  }
0xb: {  	[smem:$0x3FB1] =	sst s3  }
0xc: {  	[smem:$0x3FB2] =	sst s4  }
0xd: {  	[smem:$0x3FB3] =	sst s5  }
0xe: {  	[smem:$0x3FB4] =	sst s6  }
0xf: {  	[smem:$0x3FB5] =	sst s7  }
0x10: {  	[smem:$0x3FB6] =	sst s8  }
0x11: {  	[smem:$0x3FB7] =	sst s9;
	s0 =	simm.s32 @!p0 $0x0  }
0x12: {  	s1 =	sld [smem:$0x3F9D];
	s0 =	simm.s32 @p0 $0x1  }
0x13: {  	[smem:$0x3FB8] =	sst s0;
	s0 =	simm.s32 @!p1 $0x0  }
0x14: {  	s2 =	sld [smem:$0x3F9C];
	s0 =	simm.s32 @p1 $0x1  }
0x15: {  	[smem:$0x3FB9] =	sst s0;
	s0 =	simm.s32 @!p2 $0x0  }
0x16: {  	s3 =	sld [smem:$0x3FDB];
	s0 =	simm.s32 @p2 $0x1  }
0x17: {  	s4 =	simm.s32 $0x1BF5;
	[smem:$0x3FBB] =	sst s0  }
0x18: {  	s0 =	sld [smem:$0x3F9E];
	_ =	swait.ge [sflag:s4], $0x0  }
0x19: {  	s7 =	sld [smem:$0x3F9F]  }
0x1a: {  	s8 =	sadd.s32 $0xFFFFE003, lr  }
0x1b: {  	s9 =	sadd.s32 $0xFFFFFEF7, lr;
	s5 =	simm.s32 $0xFFFFFFFF;
	p2 =	slt.u32 s8, $0xFFFFF086  }
0x1c: {  	p1 =	slt.u32 s9, $0xF7A;
	s5 =	simm.s32 @!p2 $0x0  }
0x1d: {  	s5 =	simm.s32 @p1 $0x1;
	p0 =	seq.s32 s7, s2  }
0x1e: {  	s7 =	smul.u32 @!p0 $0xF7A, s2;
	p2 =	seq.s32 @!p0 s5, $0x0  }
0x1f: {  	s9 =	smul.u32 $0xF7A, s1;
	s8 =	simm.s32 @!p0 $0x1BF5;
	p2 =	por !p2, p0  }
0x20: {  	[sflag:s8] =	ssyncset.s32 @!p0 $0xFFFFF086;
	s6 =	sadd.s32 @!p0 s3, s7;
	s7 =	simm.s32 @!p0 $0x108  }
0x21: {  	s3 =	sadd.s32 s3, s9;
	s6 =	sadd.s32 @!p0 $0x88, s6;
	s7 =	simm.s32 @p2 $0x1082  }
0x22: {  	[simem:s7], [sflag:s8] =	dma.local @!p0 [hbm:s6], $0xF7A  }
0x23: {  	s9 =	sor.u32 $0xD0000000, s2;
	s6 =	simm.s32 $0x108;
	_ =	swait.ge @!p0 [sflag:s8], $0x0  }
0x24: {  	s3 =	sadd.s32 $0x88, s3;
	s6 =	simm.s32 @!p1 $0x1082;
	[sflag:s4] =	ssyncset.s32 $0xFFFFF086  }
0x25: {  	[simem:s6], [sflag:s4] =	dma.local [hbm:s3], $0xF7A  }
0x26: {  	[smem:$0x3F9F] =	sst s1;
	(tag) =	ssettag s2;
	_ =	strace s9  }
0x27: {  	s1 =	sld [smem:$0x3FAF]  }
0x28: {  	s2 =	sld [smem:$0x3FB0]  }
0x29: {  	s4 =	sld [smem:$0x3FB2]  }
0x2a: {  	p0 =	seq.s32 s5, $0x0;
	s5 =	sld [smem:$0x3FB3]  }
0x2b: {  	s6 =	sld [smem:$0x3FB4]  }
0x2c: {  	s7 =	sld [smem:$0x3FB5]  }
0x2d: {  	s3 =	simm.s32 $0x108;
	s8 =	sld [smem:$0x3FB6]  }
0x2e: {  	s3 =	simm.s32 @!p0 $0x1082;
	s9 =	sld [smem:$0x3FB7]  }
0x2f: {  	lr =	sadd.s32 s0, s3;
	s0 =	sld [smem:$0x3FAE]  }
0x30: {  	s3 =	sld [smem:$0x3FB1]  }
0x31: {  	[smem:$0x3FBA] =	sst s10  }
0x32: {  	s10 =	sld [smem:$0x3FB8];
	_ =	sdelay $0x3  }
0x33: {  	p0 =	seq.s32 s10, $0x1;
	s10 =	sld [smem:$0x3FBA];
	_ =	sdelay $0x3  }
0x34: {  	[smem:$0x3FBA] =	sst s10  }
0x35: {  	s10 =	sld [smem:$0x3FB9];
	_ =	sdelay $0x3  }
0x36: {  	p1 =	seq.s32 s10, $0x1;
	s10 =	sld [smem:$0x3FBA];
	_ =	sdelay $0x3  }
0x37: {  	[smem:$0x3FBA] =	sst s10  }
0x38: {  	s10 =	sld [smem:$0x3FBB]  }
0x39: {  	_ = 	snop;
	(pc) =	sbr.ind lr, $3  }
0x3a: {  	_ = 	snop  }
0x3b: {  	_ = 	snop  }
0x3c: {  	p2 =	seq.s32 s10, $0x1;
	s10 =	sld [smem:$0x3FBA]  }
0x3d: {  	_ =	shalt  }
0x3e: {  	_ =	shalt  }
0x3f: {  	_ =	shalt  }
0x40: {  	_ =	shalt  }
0x41: {  	_ =	shalt  }
0x42: {  	_ =	shalt  }
0x43: {  	_ =	shalt  }
0x44: {  	_ =	shalt  }
0x45: {  	_ =	shalt  }
0x46: {  	_ =	shalt  }
0x47: {  	_ =	shalt  }
0x48: {  	_ =	shalt  }
0x49: {  	_ =	shalt  }
0x4a: {  	_ =	shalt  }
0x4b: {  	_ =	shalt  }
0x4c: {  	_ =	shalt  }
0x4d: {  	_ =	shalt  }
0x4e: {  	_ =	shalt  }
0x4f: {  	_ =	shalt  }
0x50: {  	_ =	shalt  }
0x51: {  	_ =	shalt  }
0x52: {  	_ =	shalt  }
0x53: {  	_ =	shalt  }
0x54: {  	_ =	shalt  }
0x55: {  	_ =	shalt  }
0x56: {  	_ =	shalt  }
0x57: {  	_ =	shalt  }
0x58: {  	_ =	shalt  }
0x59: {  	_ =	shalt  }
0x5a: {  	_ =	shalt  }
0x5b: {  	_ =	shalt  }
0x5c: {  	_ =	shalt  }
0x5d: {  	_ =	shalt  }
0x5e: {  	_ =	shalt  }
0x5f: {  	_ =	shalt  }
0x60: {  	_ =	shalt  }
0x61: {  	_ =	shalt  }
0x62: {  	_ =	shalt  }
0x63: {  	_ =	shalt  }
0x64: {  	_ =	shalt  }
0x65: {  	_ =	shalt  }
0x66: {  	_ =	shalt  }
0x67: {  	_ =	shalt  }
0x68: {  	_ =	shalt  }
0x69: {  	_ =	shalt  }
0x6a: {  	_ =	shalt  }
0x6b: {  	_ =	shalt  }
0x6c: {  	_ =	shalt  }
0x6d: {  	_ =	shalt  }
0x6e: {  	_ =	shalt  }
0x6f: {  	_ =	shalt  }
0x70: {  	_ =	shalt  }
0x71: {  	_ =	shalt  }
0x72: {  	_ =	shalt  }
0x73: {  	_ =	shalt  }
0x74: {  	_ =	shalt  }
0x75: {  	_ =	shalt  }
0x76: {  	_ =	shalt  }
0x77: {  	_ =	shalt  }
0x78: {  	_ =	shalt  }
0x79: {  	_ =	shalt  }
0x7a: {  	_ =	shalt  }
0x7b: {  	_ =	shalt  }
0x7c: {  	_ =	shalt  }
0x7d: {  	_ =	shalt  }
0x7e: {  	_ =	shalt  }
0x7f: {  	_ =	shalt  }
0x80: {  	_ =	shalt  }
0x81: {  	_ =	shalt  }
0x82: {  	_ =	shalt  }
0x83: {  	_ =	shalt  }
0x84: {  	_ =	shalt  }
0x85: {  	_ =	shalt  }
0x86: {  	_ =	shalt  }
0x87: {  	_ =	shalt  }
.Lfunc_end0:
.L_simem_size_0:
called_computation_lowered:
.L_overlay_start_0:
0x88: {  	s2 =	sld [smem:$0x3FD9]  }
0x89: {  	s3 =	sld [smem:$0x3FFE];
	_ =	sdelay $0x1  }
0x8a: {  	s1 =	srdreg.scid  }
0x8b: {  	s0 =	sand.u32 $0x1, s1  }
0x8c: {  	s18 =	sshll.u32 s0, $0xA;
	s2 =	sadd.s32 s3, s2  }
0x8d: {  	s2 =	sadd.s32 s2, s18  }
0x8e: {  	[smem:$0x3FC6] =	sst s2  }
0x8f: {  	_ = 	snop  }
0x90: {  	s2 =	sld [smem:$0x3FC9]  }
0x91: {  	s19 =	sld [smem:$0x3FC8]  }
0x92: {  	s4 =	sld [smem:$0x3FD0];
	(tm) =	ssettm $0x1  }
0x93: {  	s5 =	sld [smem:$0x3FFB];
	_ =	sdelay $0x3  }
0x94: {  	_ =	strace s5  }
0x95: {  	s5 =	sld [smem:$0x3FFC];
	_ =	sdelay $0x3  }
0x96: {  	_ =	strace s5  }
0x97: {  	s5 =	sld [smem:$0x3FFD];
	_ =	sdelay $0x3  }
0x98: {  	_ =	strace s5  }
0x99: {  	_ =	strace $0x8FFFFFFF  }
0x9a: {  	s20 =	sld [smem:$0x3FDB];
	_ =	sdelay $0x1  }
0x9b: {  	s6 =	simm.s32 $_scs_section_size  }
0x9c: {  	s7 =	simm.s32 $_size__tile_overlayer_lowered;
	s8 =	simm.s32 $_tile_overlayer_lowered  }
0x9d: {  	s23 =	simm.s32 $0x1BFF;
	s22 =	sshll.u32 s8, $0x1;
	s5 =	sadd.s32 s6, s20  }
0x9e: {  	s9 =	simm.s32 $0x0;
	s21 =	sshll.u32 s7, $0x1;
	s7 =	sadd.s32 s22, s5  }
0x9f: {  	[timem:s9], [sflag:s23] =	dma.local [hbm:s7], s21  }
0xa0: {  	_ =	swait.ge [sflag:s23], s21  }
0xa1: {  	s6 =	ssub.s32 $0x0, s21;
	[sflag:s23] =	ssyncset.done $0x0  }
0xa2: {  	[sflag:s23] =	ssyncadd.s32 s6;
	_ =	sdelay $0x1  }
0xa3: {  	s24 =	simm.s32 $0x1B8B  }
0xa4: {  	_ =	swait.ge [sflag:s24], $0x1  }
0xa5: {  	[sflag:s24] =	ssyncset.done $0x0  }
0xa6: {  	s25 =	simm.s32 $0x1B8E;
	[sflag:s24] =	ssyncadd.s32 $0xFFFFFFFF  }
0xa7: {  	s26 =	simm.s32 $execute0_lowered;
	[smem:$0x3FD2] =	sst s25  }
0xa8: {  	s6 =	sshll.u32 s26, $0x1;
	_ =	strace $0x80000046;
	[dreg:$0x1] =	wrdreg $0xFFFFFFFF  }
0xa9: {  	s28 =	simm.s32 $_size_execute0_lowered;
	s5 =	sadd.s32 s5, s6;
	[dreg:$0x0] =	wrdreg $0x0  }
0xaa: {  	s6 =	sshll.u32 s28, $0x1;
	[dreg:$0x2] =	wrdreg s5  }
0xab: {  	[dreg:$0x3] =	wrdreg s6  }
0xac: {  	[dreg:$0x4] =	wrdreg $0xC0  }
0xad: {  	_ =	task [dreg:s9], $0x5FFFF  }
0xae: {  	[dreg:$0x1] =	wrdreg $0xFFFFFFFF  }
0xaf: {  	[dreg:$0x0] =	wrdreg $0x60  }
0xb0: {  	[dreg:$0x2] =	wrdreg s2  }
0xb1: {  	[dreg:$0x3] =	wrdreg s19  }
0xb2: {  	[dreg:$0x4] =	wrdreg s4  }
0xb3: {  	[dreg:$0x5] =	wrdreg $0x9  }
0xb4: {  	_ =	task.clear_ibuf [dreg:s9], $0x6FFFF;
	_ =	strace $0x90000046  }
0xb5: {  	s29 =	simm.s32 $0x9;
	_ =	strace $0x80000048  }
0xb6: {  	_ =	swait.ge [sflag:s29], $0x1  }
0xb7: {  	[sflag:s29] =	ssyncadd.s32 $0xFFFFFFFF  }
0xb8: {  	_ =	strace $0x90000048  }
0xb9: {  	_ =	sfence  }
0xba: {  	s30 =	sld [smem:$0x0];
	_ =	sdelay $0x2  }
0xbb: {  	s31 =	sshll.u32 s1, $0xD;
	s1 =	sshrl.u32 s1, $0x2  }
0xbc: {  	s3 =	sand.u32 $0x4000, s31;
	s1 =	sadd.s32 s1, s30  }
0xbd: {  	s0 =	sor.u32 s3, s0;
	s1 =	sshll.u32 s1, $0x11  }
0xbe: {  	s0 =	sor.u32 s1, s0  }
0xbf: {  	s0 =	sadd.s32 $0x8F2B, s0  }
0xc0: {  	[sflag:s0] =	ssyncadd.remote.s32 $0x1  }
0xc1: {  	_ =	sfence.sel $0xFFFF  }
0xc2: {  	[dreg:$0x0] =	wrdreg $0xFFFFFFFF;
	(pc) =	sbr.abs _section_cstart, $3  }
0xc3: {  	[dreg:$0x1] =	wrdreg $0xFFFFFFFF  }
0xc4: {  	_ =	task.clear_ibuf [dreg:s9], $0x2FFFF;
	_ =	strace $0x9FFFFFFF  }
0xc5: {  	(tm) =	ssettm $0x7FFFFFFF  }
tec
execute0_lowered:
.L_overlay_start_1:
0x0: {  	(tag) =	ssettag $0x1  }
0x1: {  	s1 =	rddreg [dreg:$0x0]  }
0x2: {  	s0 =	srdreg.scid;
	s2 =	rddreg [dreg:$0x1]  }
0x3: {  	s10 =	stileid.u32;
	s5 =	rddreg [dreg:$0x2];
	s3 =	simm.s32 $0x0  }
0x4: {  	s12 =	simm.s32 $0x80;
	s13 =	simm.s32 $0x1;
	s14 =	simm.s32 $0x200  }
0x5: {  	s15 =	simm.s32 $0x100;
	s16 =	simm.s32 $0x2;
	s17 =	simm.s32 $0x4200  }
0x6: {  	s18 =	simm.s32 $0x5;
	s19 =	simm.s32 $0x180;
	s20 =	simm.s32 $0x3  }
0x7: {  	s21 =	simm.s32 $0x8200;
	s28 =	simm.s32 $0x8;
	s29 =	simm.s32 $0xB  }
0x8: {  	s30 =	simm.s32 $0xA;
	s31 =	simm.s32 $0x9;
	s0 =	sand.u32 $0x1, s0  }
0x9: {  	s4 =	sshll.u32 s10, $0xD;
	[smem:$0x7FF] =	sst s3;
	s10 =	sshll.u32 s10, $0x11  }
0xa: {  	s6 =	sshll.u32 s0, $0xC;
	s22 =	ssub.s32 $0x2, s0;
	_ =	strace $0x80000047  }
0xb: {  	s5 =	sadd.s32 s10, s5;
	s0 =	sshll.u32 s0, $0x10;
	s9 =	sor.u32 s6, s4  }
0xc: {  	s7 =	sshrl.u32 s22, $0x1;
	s0 =	sadd.s32 s0, s5;
	s4 =	sshrl.u32 s9, $0x3  }
0xd: {  	s6 =	ssub.s32 s22, s7;
	s23 =	sor.u32 $0x280, s9;
	s8 =	sor.u32 $0x200, s9  }
0xe: {  	s25 =	sor.u32 $0x180, s9;
	s9 =	sor.u32 $0x100, s9;
	[dreg:$0x7] =	wrdreg s0  }
0xf: {  	s22 =	simm.s32 $0x6;
	s4 =	sadd.s32 s2, s4;
	s24 =	smax.u32 s6, $0x1  }
0x10: {  	s7 =	sshrl.u32 s23, $0x3;
	s8 =	sshrl.u32 s8, $0x3;
	s10 =	sshrl.u32 s25, $0x3  }
.Ltmp0:
0x11: {  	s26 =	sshrl.u32 s9, $0x3;
	s23 =	simm.s32 $0x4;
	(pc) =	sbr.rel .LBB2_1-.Ltmp0, $4  }
0x12: {  	s25 =	simm.s32 $0xC200;
	[dreg:$0x4] =	wrdreg s4;
	s4 =	sadd.s32 $0x10, s4  }
0x13: {  	[dreg:$0x6] =	wrdreg s24;
	s7 =	sadd.s32 s7, s2;
	s8 =	sadd.s32 s8, s2  }
0x14: {  	s10 =	sadd.s32 s10, s2;
	s11 =	sadd.s32 s26, s2;
	s24 =	simm.s32 $0xC  }
0x15: {  	s26 =	simm.s32 $0x7;
	s2 =	simm.s32 $0x0;
	[dreg:$0x5] =	wrdreg s4  }
.LBB2_7:
0x16: {  	_ =	swait.ge [sflag:s24], $0x4000  }
0x17: {  	[sflag:s24] =	ssyncset.done $0x0  }
0x18: {  	[sflag:s24] =	ssyncadd.s32 $0xFFFFC000  }
0x19: {  	_ =	swait.ge [sflag:s29], $0x4000  }
0x1a: {  	[sflag:s29] =	ssyncset.done $0x0  }
0x1b: {  	[sflag:s29] =	ssyncadd.s32 $0xFFFFC000  }
0x1c: {  	_ =	swait.ge [sflag:s30], $0x4000  }
0x1d: {  	[sflag:s30] =	ssyncset.done $0x0  }
0x1e: {  	[sflag:s30] =	ssyncadd.s32 $0xFFFFC000  }
0x1f: {  	_ =	swait.ge [sflag:s31], $0x4000  }
0x20: {  	s2 =	sadd.s32 $0x1, s2;
	s0 =	rddreg [dreg:$0x6]  }
0x21: {  	p0 =	sne.s32 s2, s0  }
.Ltmp1:
0x22: {  	_ = 	snop;
	(pc) =	sbr.rel @!p0 .LBB2_8-.Ltmp1, $3  }
0x23: {  	_ =	sdelay $0x1  }
0x24: {  	[sflag:s31] =	ssyncset.done $0x0  }
0x25: {  	[sflag:s31] =	ssyncadd.s32 $0xFFFFC000  }
.LBB2_1:
0x26: {  	s0 =	rddreg [dreg:$0x4]  }
0x27: {  	[tilespmem:s3], [sflag:$0x1] =	stream.linear.gather [hbm4b:s0+s3], $0x80, $0x38;
	[tilespmem:$0x10200] =	vst v63  }
0x28: {  	s9 =	rddreg [dreg:$0x5]  }
0x29: {  	[tilespmem:s12], [sflag:$0x2] =	stream.linear.gather [hbm4b:s9+s3], $0x80, $0x38;
	[tilespmem:$0x10200] =	vst v63  }
.Ltmp2:
0x2a: {  	_ = 	snop;
	(pc) =	sbr.rel .LBB2_2-.Ltmp2, $4  }
0x2b: {  	_ =	swait.ge [sflag:s13], $0x80  }
0x2c: {  	[sflag:s13] =	ssyncset.done $0x0  }
0x2d: {  	s5 =	simm.s32 $0x0;
	s9 =	rddreg [dreg:$0x7];
	[sflag:s13] =	ssyncadd.s32 $0xFFFFFF80  }
0x2e: {  	[tilespmem:s14], [sflag:$0x5] =	stream.indirect.gather [hbm4b:s1+s12], $0x80, s3, s12, $0xb8;
	[tilespmem:$0x10200] =	vst v63  }
.LBB2_3:
0x2f: {  	_ =	swait.ge [sflag:s23], $0x80  }
0x30: {  	[sflag:s23] =	ssyncset.done $0x0  }
0x31: {  	[sflag:s23] =	ssyncadd.s32 $0xFFFFFF80  }
.LBB2_5:
0x32: {  	_ =	swait.ge [sflag:s24], $0x4000  }
0x33: {  	[sflag:s24] =	ssyncset.done $0x0  }
0x34: {  	[sflag:s24] =	ssyncadd.s32 $0xFFFFC000  }
.LBB2_6:
0x35: {  	[tilespmem:s25], [sflag:$0x8] =	stream.indirect.gather [hbm4b:s1+s12], $0x80, s19, s12, $0xb8;
	[tilespmem:$0x10200] =	vst v63  }
0x36: {  	_ =	swait.ge [sflag:s26], $0x4000  }
0x37: {  	[sflag:s26] =	ssyncset.done $0x0  }
0x38: {  	p0 =	seq.s32 s5, $0x1C0;
	s6 =	sadd.s32 $0x1000, s9;
	[sflag:s26] =	ssyncadd.s32 $0xFFFFC000  }
0x39: {  	[hbm4b:s6+s3] =	stream.linear.scatter [tilespmem:s21], [sflag:$0xB], $0x4000, $0x38;
	[tilespmem:$0x10200] =	vst v63  }
0x3a: {  	s4 =	simm.s32 @!p0 $0x0;
	s0 =	simm.s32 @!p0 $0x80;
	s6 =	sadd.s32 @!p0 s5, s7  }
0x3b: {  	[tilespmem:s0], [sflag:$0x2] =	stream.linear.gather @!p0 [hbm4b:s6+s4], $0x80, $0x38;
	[tilespmem:$0x10200] =	vst v63  }
0x3c: {  	s6 =	simm.s32 @!p0 $0x1  }
0x3d: {  	_ =	swait.ge @!p0 [sflag:s6], $0x80  }
0x3e: {  	[sflag:s6] =	ssyncset.done @!p0 $0x0  }
0x3f: {  	[sflag:s6] =	ssyncadd.s32 @!p0 $0xFFFFFF80;
	s6 =	simm.s32 @!p0 $0x9  }
0x40: {  	_ =	swait.ge @!p0 [sflag:s6], $0x4000  }
0x41: {  	[sflag:s6] =	ssyncset.done @!p0 $0x0  }
0x42: {  	s5 =	sadd.s32 $0x40, s5;
	[sflag:s6] =	ssyncadd.s32 @!p0 $0xFFFFC000;
	s6 =	simm.s32 @!p0 $0x200  }
0x43: {  	[tilespmem:s6], [sflag:$0x5] =	stream.indirect.gather @!p0 [hbm4b:s1+s0], $0x80, s4, s0, $0xb8;
	[tilespmem:$0x10200] =	vst v63  }
0x44: {  	p0 =	sne.s32 s5, $0x200  }
.Ltmp3:
0x45: {  	_ = 	snop;
	(pc) =	sbr.rel @!p0 .LBB2_7-.Ltmp3, $4  }
0x46: {  	_ =	swait.ge [sflag:s28], $0x4000  }
0x47: {  	[sflag:s28] =	ssyncset.done $0x0  }
0x48: {  	s6 =	sadd.s32 $0x1800, s9;
	s9 =	sadd.s32 $0x2000, s9;
	[sflag:s28] =	ssyncadd.s32 $0xFFFFC000  }
0x49: {  	[hbm4b:s6+s3] =	stream.linear.scatter [tilespmem:s25], [sflag:$0xC], $0x4000, $0x38;
	[tilespmem:$0x10200] =	vst v63  }
.LBB2_2:
0x4a: {  	s6 =	sadd.s32 s5, s11  }
0x4b: {  	[tilespmem:s15], [sflag:$0x3] =	stream.linear.gather [hbm4b:s6+s3], $0x80, $0x38;
	[tilespmem:$0x10200] =	vst v63  }
0x4c: {  	_ =	swait.ge [sflag:s16], $0x80  }
0x4d: {  	p0 =	seq.s32 s5, $0x0;
	[sflag:s16] =	ssyncset.done $0x0  }
0x4e: {  	s6 =	simm.s32 @!p0 $0xA;
	[sflag:s16] =	ssyncadd.s32 $0xFFFFFF80  }
0x4f: {  	_ =	swait.ge @!p0 [sflag:s6], $0x4000  }
0x50: {  	[sflag:s6] =	ssyncset.done @!p0 $0x0  }
0x51: {  	[sflag:s6] =	ssyncadd.s32 @!p0 $0xFFFFC000  }
0x52: {  	[tilespmem:s17], [sflag:$0x6] =	stream.indirect.gather [hbm4b:s1+s12], $0x80, s12, s12, $0xb8;
	[tilespmem:$0x10200] =	vst v63  }
0x53: {  	_ =	swait.ge [sflag:s18], $0x4000  }
0x54: {  	[sflag:s18] =	ssyncset.done $0x0  }
0x55: {  	[sflag:s18] =	ssyncadd.s32 $0xFFFFC000  }
0x56: {  	[hbm4b:s9+s3] =	stream.linear.scatter [tilespmem:s14], [sflag:$0x9], $0x4000, $0x38;
	[tilespmem:$0x10200] =	vst v63  }
0x57: {  	s0 =	sadd.s32 s5, s10  }
0x58: {  	[tilespmem:s19], [sflag:$0x4] =	stream.linear.gather [hbm4b:s0+s3], $0x80, $0x38;
	[tilespmem:$0x10200] =	vst v63  }
0x59: {  	_ =	swait.ge [sflag:s20], $0x80  }
0x5a: {  	[sflag:s20] =	ssyncset.done $0x0  }
0x5b: {  	s6 =	simm.s32 @!p0 $0xB;
	[sflag:s20] =	ssyncadd.s32 $0xFFFFFF80  }
0x5c: {  	_ =	swait.ge @!p0 [sflag:s6], $0x4000  }
0x5d: {  	[sflag:s6] =	ssyncset.done @!p0 $0x0  }
0x5e: {  	p1 =	sne.s32 s5, $0x1C0;
	[sflag:s6] =	ssyncadd.s32 @!p0 $0xFFFFC000  }
0x5f: {  	[tilespmem:s21], [sflag:$0x7] =	stream.indirect.gather [hbm4b:s1+s12], $0x80, s15, s12, $0xb8;
	[tilespmem:$0x10200] =	vst v63  }
.Ltmp4:
0x60: {  	_ = 	snop;
	(pc) =	sbr.rel @!p1 .LBB2_3-.Ltmp4, $4  }
0x61: {  	_ =	swait.ge [sflag:s22], $0x4000  }
0x62: {  	[sflag:s22] =	ssyncset.done $0x0  }
0x63: {  	s4 =	sadd.s32 $0x800, s9;
	[sflag:s22] =	ssyncadd.s32 $0xFFFFC000  }
0x64: {  	[hbm4b:s4+s3] =	stream.linear.scatter [tilespmem:s17], [sflag:$0xA], $0x4000, $0x38;
	[tilespmem:$0x10200] =	vst v63  }
0x65: {  	s6 =	sadd.s32 s5, s8  }
0x66: {  	[tilespmem:s3], [sflag:$0x1] =	stream.linear.gather [hbm4b:s6+s3], $0x80, $0x38;
	[tilespmem:$0x10200] =	vst v63  }
.Ltmp5:
0x67: {  	_ = 	snop;
	(pc) =	sbr.rel @!p0 .LBB2_5-.Ltmp5, $4  }
.Ltmp6:
0x68: {  	_ = 	snop;
	(pc) =	sbr.rel @p0 .LBB2_6-.Ltmp6, $4  }
0x69: {  	_ =	swait.ge [sflag:s23], $0x80  }
0x6a: {  	[sflag:s23] =	ssyncset.done $0x0  }
0x6b: {  	[sflag:s23] =	ssyncadd.s32 $0xFFFFFF80  }
0x6c: {  	_ = 	snop  }
.LBB2_8:
0x6d: {  	_ =	sfence.sel $0x180000  }
0x6e: {  	[bflag:$0x0] =	sbarrier.arrive $0xFFFF  }
0x6f: {  	_ =	strace $0x90000047  }
0x70: {  	s0 =	stileid.u32;
	[bflag:$0x2] =	sbarrier.arrive $0xFFFF  }
0x71: {  	p0 =	sne.s32 s0, $0x0;
	s0 =	rddreg [dreg:$0x3]  }
0x72: {  	s0 =	sadd.s32 @!p0 $0x100000, s0  }
0x73: {  	[sflag:s0] =	ssyncadd.tile.s32 @!p0 $0x1;
	_ =	shalt  }
.Lfunc_end2:
_tile_overlayer_lowered:
.L_overlay_start_2:
0x74: {  	(tag) =	ssettag $0x2  }
0x75: {  	s0 =	rddreg [dreg:$0x0];
	s2 =	stileid.u32  }
0x76: {  	s1 =	rddreg [dreg:$0x1];
	p0 =	sne.s32 s2, $0x0  }
0x77: {  	s3 =	rddreg [dreg:$0x2];
	[bflag:$0x3] =	sbarrier.arrive $0xFFFF;
	s2 =	simm.s32 @!p0 $0x1C0D  }
0x78: {  	[timem:s3], [sflag:s2] =	dma.local @!p0 [hbm:s0], s1  }
0x79: {  	s0 =	simm.s32 @!p0 $0xD  }
0x7a: {  	_ =	swait.ge @!p0 [sflag:s0], s1  }
0x7b: {  	s1 =	ssub.s32 @!p0 $0x0, s1;
	[sflag:s0] =	ssyncset.done @!p0 $0x0  }
0x7c: {  	[sflag:s0] =	ssyncadd.s32 @!p0 s1  }
0x7d: {  	[bflag:$0x3] =	sbarrier.arrive $0xFFFF  }
0x7e: {  	_ =	shalt  }

</sc_bundles>
